<compile_context>
chip_gen: v7x
topology: tpu7x:2x2x1
jax: 0.10.2.dev20260603
libtpu: 0.0.44.dev20260713+nightly
codegen_flags: <defaults>
</compile_context>

<pallas_src>
import functools

import jax
import jax.numpy as jnp
from jax import lax
from jax.experimental import pallas as pl
from jax.experimental.pallas import tpu as pltpu
from jax.experimental.pallas import tpu_sc as plsc

BATCH = 4096
SEQ = 200
EMBED = 32

NC = 2
NS = 16
NW = NC * NS
BPW = BATCH // NW
IDX_PER_W = BPW * SEQ
ROWS_PER_CHUNK = 4
CHUNK_LEN = ROWS_PER_CHUNK * SEQ
CHUNKS = BPW // ROWS_PER_CHUNK

_mesh = plsc.VectorSubcoreMesh(
    core_axis_name="c", subcore_axis_name="s", num_cores=NC, num_subcores=NS
)


@functools.partial(
    pl.kernel,
    out_type=jax.ShapeDtypeStruct((NW, BPW * EMBED), jnp.float32),
    mesh=_mesh,
    scratch_types=[
        pltpu.VMEM((CHUNKS, CHUNK_LEN), jnp.int32),
        pltpu.VMEM((CHUNK_LEN, EMBED), jnp.float32),
        pltpu.VMEM((CHUNK_LEN, EMBED), jnp.float32),
        pltpu.VMEM((BPW * EMBED,), jnp.float32),
        pltpu.SemaphoreType.DMA,
        pltpu.SemaphoreType.DMA,
    ],
    compiler_params=pltpu.CompilerParams(use_tc_tiling_on_sc=False),
)
def _sc_embed(x_hbm, table_hbm, out_hbm, idx_v, buf0, buf1, out_v, sem0, sem1):
    wid = lax.axis_index("c") * NS + lax.axis_index("s")
    bufs = (buf0, buf1)
    sems = (sem0, sem1)

    pltpu.sync_copy(x_hbm.at[pl.ds(wid * CHUNKS, CHUNKS)], idx_v)

    def fire(b, g):
        pltpu.async_copy(table_hbm.at[idx_v.at[g]], bufs[b], sems[b])

    def drain(b):
        pltpu.make_async_copy(
            table_hbm.at[idx_v.at[0]], bufs[b], sems[b]
        ).wait()

    inv = jnp.full((16,), 1.0 / SEQ, jnp.float32)

    def reduce_chunk(b, g):
        buf = bufs[b]
        for c in range(ROWS_PER_CHUNK):
            base = c * SEQ

            def rbody(r, accs):
                row = base + r * 4
                new = []
                for i in range(4):
                    for h in range(2):
                        v = buf[row + i, pl.ds(h * 16, 16)]
                        new.append(accs[i * 2 + h] + v)
                return tuple(new)

            zeros = tuple(jnp.zeros((16,), jnp.float32) for _ in range(8))
            accs = lax.fori_loop(0, SEQ // 4, rbody, zeros)
            half0 = (accs[0] + accs[2]) + (accs[4] + accs[6])
            half1 = (accs[1] + accs[3]) + (accs[5] + accs[7])
            obase = (g * ROWS_PER_CHUNK + c) * EMBED
            out_v[pl.ds(obase, 16)] = half0 * inv
            out_v[pl.ds(obase + 16, 16)] = half1 * inv

    fire(0, 0)

    def outer(o, carry):
        g0 = o * 2
        drain(0)
        fire(1, g0 + 1)
        reduce_chunk(0, g0)
        drain(1)

        @pl.when(o < CHUNKS // 2 - 1)
        def _():
            fire(0, g0 + 2)

        reduce_chunk(1, g0 + 1)
        return carry

    lax.fori_loop(0, CHUNKS // 2, outer, 0)

    pltpu.sync_copy(out_v, out_hbm.at[wid])


def kernel(x, table):
    x2 = x.reshape(-1, CHUNK_LEN).astype(jnp.int32)
    return _sc_embed(x2, table).reshape(BATCH, EMBED)

# --- scband reference (transcript-rebuilt; emitter-appended) ---
"""Pipeline reference for scband-sentence-embedding-23029614641190 (READ-ONLY COPY).

The authoritative reference and input builder live on the scoring server;
editing this copy changes nothing except your own understanding.
"""

import jax, jax.numpy as jnp
import numpy as np

VOCAB = 1000000
EMBED_DIM = 32
BATCH = 4096
SEQ = 200

def setup_inputs(seed: int = 0) -> dict:
    key = jax.random.key(seed)
    k1, k2 = jax.random.split(key)
    x = jax.random.randint(k1, (BATCH, SEQ), 0, VOCAB, dtype=jnp.int64 if jax.config.jax_enable_x64 else jnp.int32)
    table = jax.random.normal(k2, (VOCAB, EMBED_DIM), dtype=jnp.float32) * 0.02
    return {"x": x, "table": table}

def reference(x, table):
    # word_embedding: gather rows of the embedding table
    sentence = jnp.take(table, x, axis=0)            # [B, S, D]
    # encoder (MeanPoolEncoder): mean-pool over the sequence dimension
    embedding = jnp.mean(sentence, axis=1)           # [B, D]
    return embedding

if __name__ == "__main__":
    import jax
    _d = setup_inputs()
    print(jax.jit(kernel)(*tuple(_d.values())))

</pallas_src>

<mosaic_0001>
#map = affine_map<(d0, d1) -> (0, 0)>
module attributes {stable_mosaic.version = 14 : i64} {
  func.func @_sc_embed(%arg0: i32, %arg1: i32, %arg2: memref<1024x800xi32, #tpu.memory_space<hbm>>, %arg3: memref<1000000x32xf32, #tpu.memory_space<hbm>>, %arg4: memref<32x4096xf32, #tpu.memory_space<hbm>>, %arg5: memref<32x800xi32, #tpu.memory_space<vmem>>, %arg6: memref<800x32xf32, #tpu.memory_space<vmem>>, %arg7: memref<800x32xf32, #tpu.memory_space<vmem>>, %arg8: memref<4096xf32, #tpu.memory_space<vmem>>, %arg9: memref<!tpu.dma_semaphore, #tpu.memory_space<semaphore_mem>>, %arg10: memref<!tpu.dma_semaphore, #tpu.memory_space<semaphore_mem>>) attributes {dimension_semantics = [#tpu.dimension_semantics<core_parallel>, #tpu.dimension_semantics<subcore_parallel>], iteration_bounds = array<i64: 2, 16>, scalar_prefetch = 0 : i64, scratch_operands = 6 : i64, tpu.core_type = #tpu.core_type<sc_vector_subcore>, window_params = [{transform_indices = #map}, {transform_indices = #map}, {transform_indices = #map}]} {
    %mul3A = arith.constant 16 : i32
    %mul3A_0 = arith.muli %arg0, %mul3A : i32
    %add3A = arith.addi %mul3A_0, %arg1 : i32
    %mul3A_1 = arith.constant 32 : i32
    %mul3A_2 = arith.muli %add3A, %mul3A_1 : i32
    "tpu.region"() ({
      %run_scoped3A = tpu.sem_alloc : memref<!tpu.dma_semaphore, #tpu.memory_space<semaphore_mem>>
      %dma_start3A_15 = arith.constant 0 : i32
      %dma_start3A_16 = tpu.memref_slice %arg2[%mul3A_2, %dma_start3A_15] : memref<1024x800xi32, #tpu.memory_space<hbm>> -> memref<32x800xi32, #tpu.memory_space<hbm>>
      %dma_start3A_17 = arith.constant 0 : i32
      %dma_start3A_18 = tpu.memref_slice %arg2[%mul3A_2, %dma_start3A_17] : memref<1024x800xi32, #tpu.memory_space<hbm>> -> memref<32x800xi32, #tpu.memory_space<hbm>>
      tpu.enqueue_dma source(%dma_start3A_18 : memref<32x800xi32, #tpu.memory_space<hbm>>) target(%arg5 : memref<32x800xi32, #tpu.memory_space<vmem>>) target_semaphore(%run_scoped3A : memref<!tpu.dma_semaphore, #tpu.memory_space<semaphore_mem>>)
      %dma_wait3A = arith.constant 0 : i32
      %dma_wait3A_19 = tpu.memref_slice %arg2[%mul3A_2, %dma_wait3A] : memref<1024x800xi32, #tpu.memory_space<hbm>> -> memref<32x800xi32, #tpu.memory_space<hbm>>
      %dma_wait3A_20 = arith.constant 0 : i32
      %dma_wait3A_21 = tpu.memref_slice %arg2[%mul3A_2, %dma_wait3A_20] : memref<1024x800xi32, #tpu.memory_space<hbm>> -> memref<32x800xi32, #tpu.memory_space<hbm>>
      tpu.wait_dma2 semaphore(%run_scoped3A : memref<!tpu.dma_semaphore, #tpu.memory_space<semaphore_mem>>) src(%dma_wait3A_21 : memref<32x800xi32, #tpu.memory_space<hbm>>) dst(%arg5 : memref<32x800xi32, #tpu.memory_space<vmem>>)
      tpu.yield
    }) : () -> ()
    %broadcast_in_dim3A = arith.constant 5.000000e-03 : f32
    %broadcast_in_dim3A_3 = vector.broadcast %broadcast_in_dim3A : f32 to vector<16xf32>
    %dma_start3A = arith.constant 0 : i32
    %dma_start3A_4 = arith.constant 0 : i32
    %dma_start3A_5 = tpu.memref_slice %arg5[%dma_start3A, %dma_start3A_4] : memref<32x800xi32, #tpu.memory_space<vmem>> -> memref<1x800xi32, #tpu.memory_space<vmem>>
    %dma_start3A_6 = tpu.memref_squeeze %dma_start3A_5 : memref<1x800xi32, #tpu.memory_space<vmem>> -> memref<800xi32, #tpu.memory_space<vmem>>
    %dma_start3A_7 = arith.constant 0 : i32
    %dma_start3A_8 = arith.constant 0 : i32
    %dma_start3A_9 = tpu.memref_slice %arg3[%dma_start3A_7, %dma_start3A_8] : memref<1000000x32xf32, #tpu.memory_space<hbm>> -> memref<1000000x32xf32, #tpu.memory_space<hbm>>
    tpu.enqueue_indirect_dma source(%dma_start3A_9 : memref<1000000x32xf32, #tpu.memory_space<hbm>>) target(%arg6 : memref<800x32xf32, #tpu.memory_space<vmem>>) offsets(%dma_start3A_6 : memref<800xi32, #tpu.memory_space<vmem>>) semaphore(%arg9 : memref<!tpu.dma_semaphore, #tpu.memory_space<semaphore_mem>>)
    %scan3A = arith.constant 0 : i32
    %scan3A_10 = arith.constant 0 : i32
    %scan3A_11 = arith.constant 16 : i32
    %scan3A_12 = arith.addi %scan3A_10, %scan3A_11 : i32
    %scan3A_13 = arith.constant 1 : i32
    scf.for %scan3A_15 = %scan3A_10 to %scan3A_12 step %scan3A_13  : i32 {
      %mul3A_16 = arith.constant 2 : i32
      %mul3A_17 = arith.muli %scan3A_15, %mul3A_16 : i32
      %dma_wait3A = arith.constant 0 : i32
      %dma_wait3A_18 = arith.constant 0 : i32
      %dma_wait3A_19 = tpu.memref_slice %arg5[%dma_wait3A, %dma_wait3A_18] : memref<32x800xi32, #tpu.memory_space<vmem>> -> memref<1x800xi32, #tpu.memory_space<vmem>>
      %dma_wait3A_20 = tpu.memref_squeeze %dma_wait3A_19 : memref<1x800xi32, #tpu.memory_space<vmem>> -> memref<800xi32, #tpu.memory_space<vmem>>
      %dma_wait3A_21 = arith.constant 0 : i32
      %dma_wait3A_22 = arith.constant 0 : i32
      %dma_wait3A_23 = tpu.memref_slice %arg3[%dma_wait3A_21, %dma_wait3A_22] : memref<1000000x32xf32, #tpu.memory_space<hbm>> -> memref<1000000x32xf32, #tpu.memory_space<hbm>>
      tpu.wait_indirect_dma semaphore(%arg9 : memref<!tpu.dma_semaphore, #tpu.memory_space<semaphore_mem>>) src(%dma_wait3A_23 : memref<1000000x32xf32, #tpu.memory_space<hbm>>) dst(%arg6 : memref<800x32xf32, #tpu.memory_space<vmem>>)
      %add3A_24 = arith.constant 1 : i32
      %add3A_25 = arith.addi %mul3A_17, %add3A_24 : i32
      %dma_start3A_26 = arith.constant 0 : i32
      %dma_start3A_27 = tpu.memref_slice %arg5[%add3A_25, %dma_start3A_26] : memref<32x800xi32, #tpu.memory_space<vmem>> -> memref<1x800xi32, #tpu.memory_space<vmem>>
      %dma_start3A_28 = tpu.memref_squeeze %dma_start3A_27 : memref<1x800xi32, #tpu.memory_space<vmem>> -> memref<800xi32, #tpu.memory_space<vmem>>
      %dma_start3A_29 = arith.constant 0 : i32
      %dma_start3A_30 = arith.constant 0 : i32
      %dma_start3A_31 = tpu.memref_slice %arg3[%dma_start3A_29, %dma_start3A_30] : memref<1000000x32xf32, #tpu.memory_space<hbm>> -> memref<1000000x32xf32, #tpu.memory_space<hbm>>
      tpu.enqueue_indirect_dma source(%dma_start3A_31 : memref<1000000x32xf32, #tpu.memory_space<hbm>>) target(%arg7 : memref<800x32xf32, #tpu.memory_space<vmem>>) offsets(%dma_start3A_28 : memref<800xi32, #tpu.memory_space<vmem>>) semaphore(%arg10 : memref<!tpu.dma_semaphore, #tpu.memory_space<semaphore_mem>>)
      %broadcast_in_dim3A_32 = arith.constant 0.000000e+00 : f32
      %broadcast_in_dim3A_33 = vector.broadcast %broadcast_in_dim3A_32 : f32 to vector<16xf32>
      %broadcast_in_dim3A_34 = arith.constant 0.000000e+00 : f32
      %broadcast_in_dim3A_35 = vector.broadcast %broadcast_in_dim3A_34 : f32 to vector<16xf32>
      %broadcast_in_dim3A_36 = arith.constant 0.000000e+00 : f32
      %broadcast_in_dim3A_37 = vector.broadcast %broadcast_in_dim3A_36 : f32 to vector<16xf32>
      %broadcast_in_dim3A_38 = arith.constant 0.000000e+00 : f32
      %broadcast_in_dim3A_39 = vector.broadcast %broadcast_in_dim3A_38 : f32 to vector<16xf32>
      %broadcast_in_dim3A_40 = arith.constant 0.000000e+00 : f32
      %broadcast_in_dim3A_41 = vector.broadcast %broadcast_in_dim3A_40 : f32 to vector<16xf32>
      %broadcast_in_dim3A_42 = arith.constant 0.000000e+00 : f32
      %broadcast_in_dim3A_43 = vector.broadcast %broadcast_in_dim3A_42 : f32 to vector<16xf32>
      %broadcast_in_dim3A_44 = arith.constant 0.000000e+00 : f32
      %broadcast_in_dim3A_45 = vector.broadcast %broadcast_in_dim3A_44 : f32 to vector<16xf32>
      %broadcast_in_dim3A_46 = arith.constant 0.000000e+00 : f32
      %broadcast_in_dim3A_47 = vector.broadcast %broadcast_in_dim3A_46 : f32 to vector<16xf32>
      %scan3A_48 = arith.constant 0 : i32
      %scan3A_49 = arith.constant 50 : i32
      %scan3A_50 = arith.addi %scan3A_48, %scan3A_49 : i32
      %scan3A_51 = arith.constant 1 : i32
      %scan3A_52:8 = scf.for %scan3A_410 = %scan3A_48 to %scan3A_50 step %scan3A_51 iter_args(%scan3A_411 = %broadcast_in_dim3A_33, %scan3A_412 = %broadcast_in_dim3A_35, %scan3A_413 = %broadcast_in_dim3A_37, %scan3A_414 = %broadcast_in_dim3A_39, %scan3A_415 = %broadcast_in_dim3A_41, %scan3A_416 = %broadcast_in_dim3A_43, %scan3A_417 = %broadcast_in_dim3A_45, %scan3A_418 = %broadcast_in_dim3A_47) -> (vector<16xf32>, vector<16xf32>, vector<16xf32>, vector<16xf32>, vector<16xf32>, vector<16xf32>, vector<16xf32>, vector<16xf32>)  : i32 {
        %mul3A_419 = arith.constant 4 : i32
        %mul3A_420 = arith.muli %scan3A_410, %mul3A_419 : i32
        %add3A_421 = arith.constant 0 : i32
        %add3A_422 = arith.addi %add3A_421, %mul3A_420 : i32
        %add3A_423 = arith.constant 0 : i32
        %add3A_424 = arith.addi %add3A_422, %add3A_423 : i32
        %get3A = arith.index_cast %add3A_424 : i32 to index
        %get3A_425 = arith.constant 0 : index
        %get3A_426 = tpu.vector_load %arg6[%get3A, %get3A_425] {strides = array<i32>} : memref<800x32xf32, #tpu.memory_space<vmem>>, vector<1x16xf32>,
        %get3A_427 = vector.shape_cast %get3A_426 : vector<1x16xf32> to vector<16xf32>
        %add3A_428 = arith.addf %scan3A_411, %get3A_427 : vector<16xf32>
        %add3A_429 = arith.constant 0 : i32
        %add3A_430 = arith.addi %add3A_422, %add3A_429 : i32
        %get3A_431 = arith.index_cast %add3A_430 : i32 to index
        %get3A_432 = arith.constant 16 : index
        %get3A_433 = tpu.vector_load %arg6[%get3A_431, %get3A_432] {strides = array<i32>} : memref<800x32xf32, #tpu.memory_space<vmem>>, vector<1x16xf32>,
        %get3A_434 = vector.shape_cast %get3A_433 : vector<1x16xf32> to vector<16xf32>
        %add3A_435 = arith.addf %scan3A_412, %get3A_434 : vector<16xf32>
        %add3A_436 = arith.constant 1 : i32
        %add3A_437 = arith.addi %add3A_422, %add3A_436 : i32
        %get3A_438 = arith.index_cast %add3A_437 : i32 to index
        %get3A_439 = arith.constant 0 : index
        %get3A_440 = tpu.vector_load %arg6[%get3A_438, %get3A_439] {strides = array<i32>} : memref<800x32xf32, #tpu.memory_space<vmem>>, vector<1x16xf32>,
        %get3A_441 = vector.shape_cast %get3A_440 : vector<1x16xf32> to vector<16xf32>
        %add3A_442 = arith.addf %scan3A_413, %get3A_441 : vector<16xf32>
        %add3A_443 = arith.constant 1 : i32
        %add3A_444 = arith.addi %add3A_422, %add3A_443 : i32
        %get3A_445 = arith.index_cast %add3A_444 : i32 to index
        %get3A_446 = arith.constant 16 : index
        %get3A_447 = tpu.vector_load %arg6[%get3A_445, %get3A_446] {strides = array<i32>} : memref<800x32xf32, #tpu.memory_space<vmem>>, vector<1x16xf32>,
        %get3A_448 = vector.shape_cast %get3A_447 : vector<1x16xf32> to vector<16xf32>
        %add3A_449 = arith.addf %scan3A_414, %get3A_448 : vector<16xf32>
        %add3A_450 = arith.constant 2 : i32
        %add3A_451 = arith.addi %add3A_422, %add3A_450 : i32
        %get3A_452 = arith.index_cast %add3A_451 : i32 to index
        %get3A_453 = arith.constant 0 : index
        %get3A_454 = tpu.vector_load %arg6[%get3A_452, %get3A_453] {strides = array<i32>} : memref<800x32xf32, #tpu.memory_space<vmem>>, vector<1x16xf32>,
        %get3A_455 = vector.shape_cast %get3A_454 : vector<1x16xf32> to vector<16xf32>
        %add3A_456 = arith.addf %scan3A_415, %get3A_455 : vector<16xf32>
        %add3A_457 = arith.constant 2 : i32
        %add3A_458 = arith.addi %add3A_422, %add3A_457 : i32
        %get3A_459 = arith.index_cast %add3A_458 : i32 to index
        %get3A_460 = arith.constant 16 : index
        %get3A_461 = tpu.vector_load %arg6[%get3A_459, %get3A_460] {strides = array<i32>} : memref<800x32xf32, #tpu.memory_space<vmem>>, vector<1x16xf32>,
        %get3A_462 = vector.shape_cast %get3A_461 : vector<1x16xf32> to vector<16xf32>
        %add3A_463 = arith.addf %scan3A_416, %get3A_462 : vector<16xf32>
        %add3A_464 = arith.constant 3 : i32
        %add3A_465 = arith.addi %add3A_422, %add3A_464 : i32
        %get3A_466 = arith.index_cast %add3A_465 : i32 to index
        %get3A_467 = arith.constant 0 : index
        %get3A_468 = tpu.vector_load %arg6[%get3A_466, %get3A_467] {strides = array<i32>} : memref<800x32xf32, #tpu.memory_space<vmem>>, vector<1x16xf32>,
        %get3A_469 = vector.shape_cast %get3A_468 : vector<1x16xf32> to vector<16xf32>
        %add3A_470 = arith.addf %scan3A_417, %get3A_469 : vector<16xf32>
        %add3A_471 = arith.constant 3 : i32
        %add3A_472 = arith.addi %add3A_422, %add3A_471 : i32
        %get3A_473 = arith.index_cast %add3A_472 : i32 to index
        %get3A_474 = arith.constant 16 : index
        %get3A_475 = tpu.vector_load %arg6[%get3A_473, %get3A_474] {strides = array<i32>} : memref<800x32xf32, #tpu.memory_space<vmem>>, vector<1x16xf32>,
        %get3A_476 = vector.shape_cast %get3A_475 : vector<1x16xf32> to vector<16xf32>
        %add3A_477 = arith.addf %scan3A_418, %get3A_476 : vector<16xf32>
        scf.yield %add3A_428, %add3A_435, %add3A_442, %add3A_449, %add3A_456, %add3A_463, %add3A_470, %add3A_477 : vector<16xf32>, vector<16xf32>, vector<16xf32>, vector<16xf32>, vector<16xf32>, vector<16xf32>, vector<16xf32>, vector<16xf32>
      }
      %scan3A_53 = arith.constant 50 : i32
      %add3A_54 = arith.addf %scan3A_52#0, %scan3A_52#2 : vector<16xf32>
      %add3A_55 = arith.addf %scan3A_52#4, %scan3A_52#6 : vector<16xf32>
      %add3A_56 = arith.addf %add3A_54, %add3A_55 : vector<16xf32>
      %add3A_57 = arith.addf %scan3A_52#1, %scan3A_52#3 : vector<16xf32>
      %add3A_58 = arith.addf %scan3A_52#5, %scan3A_52#7 : vector<16xf32>
      %add3A_59 = arith.addf %add3A_57, %add3A_58 : vector<16xf32>
      %mul3A_60 = arith.constant 4 : i32
      %mul3A_61 = arith.muli %mul3A_17, %mul3A_60 : i32
      %add3A_62 = arith.constant 0 : i32
      %add3A_63 = arith.addi %mul3A_61, %add3A_62 : i32
      %mul3A_64 = arith.constant 32 : i32
      %mul3A_65 = arith.muli %add3A_63, %mul3A_64 : i32
      %mul3A_66 = arith.mulf %add3A_56, %broadcast_in_dim3A_3 : vector<16xf32>
      %swap3A = arith.index_cast %mul3A_65 : i32 to index
      %swap3A_67 = tpu.vector_load %arg8[%swap3A] {strides = array<i32>} : memref<4096xf32, #tpu.memory_space<vmem>>, vector<16xf32>,
      %swap3A_68 = vector.shape_cast %swap3A_67 : vector<16xf32> to vector<16xf32>
      %swap3A_69 = vector.shape_cast %mul3A_66 : vector<16xf32> to vector<16xf32>
      tpu.vector_store %arg8[%swap3A], %swap3A_69 {strides = array<i32>} : memref<4096xf32, #tpu.memory_space<vmem>>, vector<16xf32>,
      %mul3A_70 = arith.mulf %add3A_59, %broadcast_in_dim3A_3 : vector<16xf32>
      %add3A_71 = arith.constant 16 : i32
      %add3A_72 = arith.addi %mul3A_65, %add3A_71 : i32
      %swap3A_73 = arith.index_cast %add3A_72 : i32 to index
      %swap3A_74 = tpu.vector_load %arg8[%swap3A_73] {strides = array<i32>} : memref<4096xf32, #tpu.memory_space<vmem>>, vector<16xf32>,
      %swap3A_75 = vector.shape_cast %swap3A_74 : vector<16xf32> to vector<16xf32>
      %swap3A_76 = vector.shape_cast %mul3A_70 : vector<16xf32> to vector<16xf32>
      tpu.vector_store %arg8[%swap3A_73], %swap3A_76 {strides = array<i32>} : memref<4096xf32, #tpu.memory_space<vmem>>, vector<16xf32>,
      %broadcast_in_dim3A_77 = arith.constant 0.000000e+00 : f32
      %broadcast_in_dim3A_78 = vector.broadcast %broadcast_in_dim3A_77 : f32 to vector<16xf32>
      %broadcast_in_dim3A_79 = arith.constant 0.000000e+00 : f32
      %broadcast_in_dim3A_80 = vector.broadcast %broadcast_in_dim3A_79 : f32 to vector<16xf32>
      %broadcast_in_dim3A_81 = arith.constant 0.000000e+00 : f32
      %broadcast_in_dim3A_82 = vector.broadcast %broadcast_in_dim3A_81 : f32 to vector<16xf32>
      %broadcast_in_dim3A_83 = arith.constant 0.000000e+00 : f32
      %broadcast_in_dim3A_84 = vector.broadcast %broadcast_in_dim3A_83 : f32 to vector<16xf32>
      %broadcast_in_dim3A_85 = arith.constant 0.000000e+00 : f32
      %broadcast_in_dim3A_86 = vector.broadcast %broadcast_in_dim3A_85 : f32 to vector<16xf32>
      %broadcast_in_dim3A_87 = arith.constant 0.000000e+00 : f32
      %broadcast_in_dim3A_88 = vector.broadcast %broadcast_in_dim3A_87 : f32 to vector<16xf32>
      %broadcast_in_dim3A_89 = arith.constant 0.000000e+00 : f32
      %broadcast_in_dim3A_90 = vector.broadcast %broadcast_in_dim3A_89 : f32 to vector<16xf32>
      %broadcast_in_dim3A_91 = arith.constant 0.000000e+00 : f32
      %broadcast_in_dim3A_92 = vector.broadcast %broadcast_in_dim3A_91 : f32 to vector<16xf32>
      %scan3A_93 = arith.constant 0 : i32
      %scan3A_94 = arith.constant 50 : i32
      %scan3A_95 = arith.addi %scan3A_93, %scan3A_94 : i32
      %scan3A_96 = arith.constant 1 : i32
      %scan3A_97:8 = scf.for %scan3A_410 = %scan3A_93 to %scan3A_95 step %scan3A_96 iter_args(%scan3A_411 = %broadcast_in_dim3A_78, %scan3A_412 = %broadcast_in_dim3A_80, %scan3A_413 = %broadcast_in_dim3A_82, %scan3A_414 = %broadcast_in_dim3A_84, %scan3A_415 = %broadcast_in_dim3A_86, %scan3A_416 = %broadcast_in_dim3A_88, %scan3A_417 = %broadcast_in_dim3A_90, %scan3A_418 = %broadcast_in_dim3A_92) -> (vector<16xf32>, vector<16xf32>, vector<16xf32>, vector<16xf32>, vector<16xf32>, vector<16xf32>, vector<16xf32>, vector<16xf32>)  : i32 {
        %mul3A_419 = arith.constant 4 : i32
        %mul3A_420 = arith.muli %scan3A_410, %mul3A_419 : i32
        %add3A_421 = arith.constant 200 : i32
        %add3A_422 = arith.addi %add3A_421, %mul3A_420 : i32
        %add3A_423 = arith.constant 0 : i32
        %add3A_424 = arith.addi %add3A_422, %add3A_423 : i32
        %get3A = arith.index_cast %add3A_424 : i32 to index
        %get3A_425 = arith.constant 0 : index
        %get3A_426 = tpu.vector_load %arg6[%get3A, %get3A_425] {strides = array<i32>} : memref<800x32xf32, #tpu.memory_space<vmem>>, vector<1x16xf32>,
        %get3A_427 = vector.shape_cast %get3A_426 : vector<1x16xf32> to vector<16xf32>
        %add3A_428 = arith.addf %scan3A_411, %get3A_427 : vector<16xf32>
        %add3A_429 = arith.constant 0 : i32
        %add3A_430 = arith.addi %add3A_422, %add3A_429 : i32
        %get3A_431 = arith.index_cast %add3A_430 : i32 to index
        %get3A_432 = arith.constant 16 : index
        %get3A_433 = tpu.vector_load %arg6[%get3A_431, %get3A_432] {strides = array<i32>} : memref<800x32xf32, #tpu.memory_space<vmem>>, vector<1x16xf32>,
        %get3A_434 = vector.shape_cast %get3A_433 : vector<1x16xf32> to vector<16xf32>
        %add3A_435 = arith.addf %scan3A_412, %get3A_434 : vector<16xf32>
        %add3A_436 = arith.constant 1 : i32
        %add3A_437 = arith.addi %add3A_422, %add3A_436 : i32
        %get3A_438 = arith.index_cast %add3A_437 : i32 to index
        %get3A_439 = arith.constant 0 : index
        %get3A_440 = tpu.vector_load %arg6[%get3A_438, %get3A_439] {strides = array<i32>} : memref<800x32xf32, #tpu.memory_space<vmem>>, vector<1x16xf32>,
        %get3A_441 = vector.shape_cast %get3A_440 : vector<1x16xf32> to vector<16xf32>
        %add3A_442 = arith.addf %scan3A_413, %get3A_441 : vector<16xf32>
        %add3A_443 = arith.constant 1 : i32
        %add3A_444 = arith.addi %add3A_422, %add3A_443 : i32
        %get3A_445 = arith.index_cast %add3A_444 : i32 to index
        %get3A_446 = arith.constant 16 : index
        %get3A_447 = tpu.vector_load %arg6[%get3A_445, %get3A_446] {strides = array<i32>} : memref<800x32xf32, #tpu.memory_space<vmem>>, vector<1x16xf32>,
        %get3A_448 = vector.shape_cast %get3A_447 : vector<1x16xf32> to vector<16xf32>
        %add3A_449 = arith.addf %scan3A_414, %get3A_448 : vector<16xf32>
        %add3A_450 = arith.constant 2 : i32
        %add3A_451 = arith.addi %add3A_422, %add3A_450 : i32
        %get3A_452 = arith.index_cast %add3A_451 : i32 to index
        %get3A_453 = arith.constant 0 : index
        %get3A_454 = tpu.vector_load %arg6[%get3A_452, %get3A_453] {strides = array<i32>} : memref<800x32xf32, #tpu.memory_space<vmem>>, vector<1x16xf32>,
        %get3A_455 = vector.shape_cast %get3A_454 : vector<1x16xf32> to vector<16xf32>
        %add3A_456 = arith.addf %scan3A_415, %get3A_455 : vector<16xf32>
        %add3A_457 = arith.constant 2 : i32
        %add3A_458 = arith.addi %add3A_422, %add3A_457 : i32
        %get3A_459 = arith.index_cast %add3A_458 : i32 to index
        %get3A_460 = arith.constant 16 : index
        %get3A_461 = tpu.vector_load %arg6[%get3A_459, %get3A_460] {strides = array<i32>} : memref<800x32xf32, #tpu.memory_space<vmem>>, vector<1x16xf32>,
        %get3A_462 = vector.shape_cast %get3A_461 : vector<1x16xf32> to vector<16xf32>
        %add3A_463 = arith.addf %scan3A_416, %get3A_462 : vector<16xf32>
        %add3A_464 = arith.constant 3 : i32
        %add3A_465 = arith.addi %add3A_422, %add3A_464 : i32
        %get3A_466 = arith.index_cast %add3A_465 : i32 to index
        %get3A_467 = arith.constant 0 : index
        %get3A_468 = tpu.vector_load %arg6[%get3A_466, %get3A_467] {strides = array<i32>} : memref<800x32xf32, #tpu.memory_space<vmem>>, vector<1x16xf32>,
        %get3A_469 = vector.shape_cast %get3A_468 : vector<1x16xf32> to vector<16xf32>
        %add3A_470 = arith.addf %scan3A_417, %get3A_469 : vector<16xf32>
        %add3A_471 = arith.constant 3 : i32
        %add3A_472 = arith.addi %add3A_422, %add3A_471 : i32
        %get3A_473 = arith.index_cast %add3A_472 : i32 to index
        %get3A_474 = arith.constant 16 : index
        %get3A_475 = tpu.vector_load %arg6[%get3A_473, %get3A_474] {strides = array<i32>} : memref<800x32xf32, #tpu.memory_space<vmem>>, vector<1x16xf32>,
        %get3A_476 = vector.shape_cast %get3A_475 : vector<1x16xf32> to vector<16xf32>
        %add3A_477 = arith.addf %scan3A_418, %get3A_476 : vector<16xf32>
        scf.yield %add3A_428, %add3A_435, %add3A_442, %add3A_449, %add3A_456, %add3A_463, %add3A_470, %add3A_477 : vector<16xf32>, vector<16xf32>, vector<16xf32>, vector<16xf32>, vector<16xf32>, vector<16xf32>, vector<16xf32>, vector<16xf32>
      }
      %scan3A_98 = arith.constant 50 : i32
      %add3A_99 = arith.addf %scan3A_97#0, %scan3A_97#2 : vector<16xf32>
      %add3A_100 = arith.addf %scan3A_97#4, %scan3A_97#6 : vector<16xf32>
      %add3A_101 = arith.addf %add3A_99, %add3A_100 : vector<16xf32>
      %add3A_102 = arith.addf %scan3A_97#1, %scan3A_97#3 : vector<16xf32>
      %add3A_103 = arith.addf %scan3A_97#5, %scan3A_97#7 : vector<16xf32>
      %add3A_104 = arith.addf %add3A_102, %add3A_103 : vector<16xf32>
      %mul3A_105 = arith.constant 4 : i32
      %mul3A_106 = arith.muli %mul3A_17, %mul3A_105 : i32
      %add3A_107 = arith.constant 1 : i32
      %add3A_108 = arith.addi %mul3A_106, %add3A_107 : i32
      %mul3A_109 = arith.constant 32 : i32
      %mul3A_110 = arith.muli %add3A_108, %mul3A_109 : i32
      %mul3A_111 = arith.mulf %add3A_101, %broadcast_in_dim3A_3 : vector<16xf32>
      %swap3A_112 = arith.index_cast %mul3A_110 : i32 to index
      %swap3A_113 = tpu.vector_load %arg8[%swap3A_112] {strides = array<i32>} : memref<4096xf32, #tpu.memory_space<vmem>>, vector<16xf32>,
      %swap3A_114 = vector.shape_cast %swap3A_113 : vector<16xf32> to vector<16xf32>
      %swap3A_115 = vector.shape_cast %mul3A_111 : vector<16xf32> to vector<16xf32>
      tpu.vector_store %arg8[%swap3A_112], %swap3A_115 {strides = array<i32>} : memref<4096xf32, #tpu.memory_space<vmem>>, vector<16xf32>,
      %mul3A_116 = arith.mulf %add3A_104, %broadcast_in_dim3A_3 : vector<16xf32>
      %add3A_117 = arith.constant 16 : i32
      %add3A_118 = arith.addi %mul3A_110, %add3A_117 : i32
      %swap3A_119 = arith.index_cast %add3A_118 : i32 to index
      %swap3A_120 = tpu.vector_load %arg8[%swap3A_119] {strides = array<i32>} : memref<4096xf32, #tpu.memory_space<vmem>>, vector<16xf32>,
      %swap3A_121 = vector.shape_cast %swap3A_120 : vector<16xf32> to vector<16xf32>
      %swap3A_122 = vector.shape_cast %mul3A_116 : vector<16xf32> to vector<16xf32>
      tpu.vector_store %arg8[%swap3A_119], %swap3A_122 {strides = array<i32>} : memref<4096xf32, #tpu.memory_space<vmem>>, vector<16xf32>,
      %broadcast_in_dim3A_123 = arith.constant 0.000000e+00 : f32
      %broadcast_in_dim3A_124 = vector.broadcast %broadcast_in_dim3A_123 : f32 to vector<16xf32>
      %broadcast_in_dim3A_125 = arith.constant 0.000000e+00 : f32
      %broadcast_in_dim3A_126 = vector.broadcast %broadcast_in_dim3A_125 : f32 to vector<16xf32>
      %broadcast_in_dim3A_127 = arith.constant 0.000000e+00 : f32
      %broadcast_in_dim3A_128 = vector.broadcast %broadcast_in_dim3A_127 : f32 to vector<16xf32>
      %broadcast_in_dim3A_129 = arith.constant 0.000000e+00 : f32
      %broadcast_in_dim3A_130 = vector.broadcast %broadcast_in_dim3A_129 : f32 to vector<16xf32>
      %broadcast_in_dim3A_131 = arith.constant 0.000000e+00 : f32
      %broadcast_in_dim3A_132 = vector.broadcast %broadcast_in_dim3A_131 : f32 to vector<16xf32>
      %broadcast_in_dim3A_133 = arith.constant 0.000000e+00 : f32
      %broadcast_in_dim3A_134 = vector.broadcast %broadcast_in_dim3A_133 : f32 to vector<16xf32>
      %broadcast_in_dim3A_135 = arith.constant 0.000000e+00 : f32
      %broadcast_in_dim3A_136 = vector.broadcast %broadcast_in_dim3A_135 : f32 to vector<16xf32>
      %broadcast_in_dim3A_137 = arith.constant 0.000000e+00 : f32
      %broadcast_in_dim3A_138 = vector.broadcast %broadcast_in_dim3A_137 : f32 to vector<16xf32>
      %scan3A_139 = arith.constant 0 : i32
      %scan3A_140 = arith.constant 50 : i32
      %scan3A_141 = arith.addi %scan3A_139, %scan3A_140 : i32
      %scan3A_142 = arith.constant 1 : i32
      %scan3A_143:8 = scf.for %scan3A_410 = %scan3A_139 to %scan3A_141 step %scan3A_142 iter_args(%scan3A_411 = %broadcast_in_dim3A_124, %scan3A_412 = %broadcast_in_dim3A_126, %scan3A_413 = %broadcast_in_dim3A_128, %scan3A_414 = %broadcast_in_dim3A_130, %scan3A_415 = %broadcast_in_dim3A_132, %scan3A_416 = %broadcast_in_dim3A_134, %scan3A_417 = %broadcast_in_dim3A_136, %scan3A_418 = %broadcast_in_dim3A_138) -> (vector<16xf32>, vector<16xf32>, vector<16xf32>, vector<16xf32>, vector<16xf32>, vector<16xf32>, vector<16xf32>, vector<16xf32>)  : i32 {
        %mul3A_419 = arith.constant 4 : i32
        %mul3A_420 = arith.muli %scan3A_410, %mul3A_419 : i32
        %add3A_421 = arith.constant 400 : i32
        %add3A_422 = arith.addi %add3A_421, %mul3A_420 : i32
        %add3A_423 = arith.constant 0 : i32
        %add3A_424 = arith.addi %add3A_422, %add3A_423 : i32
        %get3A = arith.index_cast %add3A_424 : i32 to index
        %get3A_425 = arith.constant 0 : index
        %get3A_426 = tpu.vector_load %arg6[%get3A, %get3A_425] {strides = array<i32>} : memref<800x32xf32, #tpu.memory_space<vmem>>, vector<1x16xf32>,
        %get3A_427 = vector.shape_cast %get3A_426 : vector<1x16xf32> to vector<16xf32>
        %add3A_428 = arith.addf %scan3A_411, %get3A_427 : vector<16xf32>
        %add3A_429 = arith.constant 0 : i32
        %add3A_430 = arith.addi %add3A_422, %add3A_429 : i32
        %get3A_431 = arith.index_cast %add3A_430 : i32 to index
        %get3A_432 = arith.constant 16 : index
        %get3A_433 = tpu.vector_load %arg6[%get3A_431, %get3A_432] {strides = array<i32>} : memref<800x32xf32, #tpu.memory_space<vmem>>, vector<1x16xf32>,
        %get3A_434 = vector.shape_cast %get3A_433 : vector<1x16xf32> to vector<16xf32>
        %add3A_435 = arith.addf %scan3A_412, %get3A_434 : vector<16xf32>
        %add3A_436 = arith.constant 1 : i32
        %add3A_437 = arith.addi %add3A_422, %add3A_436 : i32
        %get3A_438 = arith.index_cast %add3A_437 : i32 to index
        %get3A_439 = arith.constant 0 : index
        %get3A_440 = tpu.vector_load %arg6[%get3A_438, %get3A_439] {strides = array<i32>} : memref<800x32xf32, #tpu.memory_space<vmem>>, vector<1x16xf32>,
        %get3A_441 = vector.shape_cast %get3A_440 : vector<1x16xf32> to vector<16xf32>
        %add3A_442 = arith.addf %scan3A_413, %get3A_441 : vector<16xf32>
        %add3A_443 = arith.constant 1 : i32
        %add3A_444 = arith.addi %add3A_422, %add3A_443 : i32
        %get3A_445 = arith.index_cast %add3A_444 : i32 to index
        %get3A_446 = arith.constant 16 : index
        %get3A_447 = tpu.vector_load %arg6[%get3A_445, %get3A_446] {strides = array<i32>} : memref<800x32xf32, #tpu.memory_space<vmem>>, vector<1x16xf32>,
        %get3A_448 = vector.shape_cast %get3A_447 : vector<1x16xf32> to vector<16xf32>
        %add3A_449 = arith.addf %scan3A_414, %get3A_448 : vector<16xf32>
        %add3A_450 = arith.constant 2 : i32
        %add3A_451 = arith.addi %add3A_422, %add3A_450 : i32
        %get3A_452 = arith.index_cast %add3A_451 : i32 to index
        %get3A_453 = arith.constant 0 : index
        %get3A_454 = tpu.vector_load %arg6[%get3A_452, %get3A_453] {strides = array<i32>} : memref<800x32xf32, #tpu.memory_space<vmem>>, vector<1x16xf32>,
        %get3A_455 = vector.shape_cast %get3A_454 : vector<1x16xf32> to vector<16xf32>
        %add3A_456 = arith.addf %scan3A_415, %get3A_455 : vector<16xf32>
        %add3A_457 = arith.constant 2 : i32
        %add3A_458 = arith.addi %add3A_422, %add3A_457 : i32
        %get3A_459 = arith.index_cast %add3A_458 : i32 to index
        %get3A_460 = arith.constant 16 : index
        %get3A_461 = tpu.vector_load %arg6[%get3A_459, %get3A_460] {strides = array<i32>} : memref<800x32xf32, #tpu.memory_space<vmem>>, vector<1x16xf32>,
        %get3A_462 = vector.shape_cast %get3A_461 : vector<1x16xf32> to vector<16xf32>
        %add3A_463 = arith.addf %scan3A_416, %get3A_462 : vector<16xf32>
        %add3A_464 = arith.constant 3 : i32
        %add3A_465 = arith.addi %add3A_422, %add3A_464 : i32
        %get3A_466 = arith.index_cast %add3A_465 : i32 to index
        %get3A_467 = arith.constant 0 : index
        %get3A_468 = tpu.vector_load %arg6[%get3A_466, %get3A_467] {strides = array<i32>} : memref<800x32xf32, #tpu.memory_space<vmem>>, vector<1x16xf32>,
        %get3A_469 = vector.shape_cast %get3A_468 : vector<1x16xf32> to vector<16xf32>
        %add3A_470 = arith.addf %scan3A_417, %get3A_469 : vector<16xf32>
        %add3A_471 = arith.constant 3 : i32
        %add3A_472 = arith.addi %add3A_422, %add3A_471 : i32
        %get3A_473 = arith.index_cast %add3A_472 : i32 to index
        %get3A_474 = arith.constant 16 : index
        %get3A_475 = tpu.vector_load %arg6[%get3A_473, %get3A_474] {strides = array<i32>} : memref<800x32xf32, #tpu.memory_space<vmem>>, vector<1x16xf32>,
        %get3A_476 = vector.shape_cast %get3A_475 : vector<1x16xf32> to vector<16xf32>
        %add3A_477 = arith.addf %scan3A_418, %get3A_476 : vector<16xf32>
        scf.yield %add3A_428, %add3A_435, %add3A_442, %add3A_449, %add3A_456, %add3A_463, %add3A_470, %add3A_477 : vector<16xf32>, vector<16xf32>, vector<16xf32>, vector<16xf32>, vector<16xf32>, vector<16xf32>, vector<16xf32>, vector<16xf32>
      }
      %scan3A_144 = arith.constant 50 : i32
      %add3A_145 = arith.addf %scan3A_143#0, %scan3A_143#2 : vector<16xf32>
      %add3A_146 = arith.addf %scan3A_143#4, %scan3A_143#6 : vector<16xf32>
      %add3A_147 = arith.addf %add3A_145, %add3A_146 : vector<16xf32>
      %add3A_148 = arith.addf %scan3A_143#1, %scan3A_143#3 : vector<16xf32>
      %add3A_149 = arith.addf %scan3A_143#5, %scan3A_143#7 : vector<16xf32>
      %add3A_150 = arith.addf %add3A_148, %add3A_149 : vector<16xf32>
      %mul3A_151 = arith.constant 4 : i32
      %mul3A_152 = arith.muli %mul3A_17, %mul3A_151 : i32
      %add3A_153 = arith.constant 2 : i32
      %add3A_154 = arith.addi %mul3A_152, %add3A_153 : i32
      %mul3A_155 = arith.constant 32 : i32
      %mul3A_156 = arith.muli %add3A_154, %mul3A_155 : i32
      %mul3A_157 = arith.mulf %add3A_147, %broadcast_in_dim3A_3 : vector<16xf32>
      %swap3A_158 = arith.index_cast %mul3A_156 : i32 to index
      %swap3A_159 = tpu.vector_load %arg8[%swap3A_158] {strides = array<i32>} : memref<4096xf32, #tpu.memory_space<vmem>>, vector<16xf32>,
      %swap3A_160 = vector.shape_cast %swap3A_159 : vector<16xf32> to vector<16xf32>
      %swap3A_161 = vector.shape_cast %mul3A_157 : vector<16xf32> to vector<16xf32>
      tpu.vector_store %arg8[%swap3A_158], %swap3A_161 {strides = array<i32>} : memref<4096xf32, #tpu.memory_space<vmem>>, vector<16xf32>,
      %mul3A_162 = arith.mulf %add3A_150, %broadcast_in_dim3A_3 : vector<16xf32>
      %add3A_163 = arith.constant 16 : i32
      %add3A_164 = arith.addi %mul3A_156, %add3A_163 : i32
      %swap3A_165 = arith.index_cast %add3A_164 : i32 to index
      %swap3A_166 = tpu.vector_load %arg8[%swap3A_165] {strides = array<i32>} : memref<4096xf32, #tpu.memory_space<vmem>>, vector<16xf32>,
      %swap3A_167 = vector.shape_cast %swap3A_166 : vector<16xf32> to vector<16xf32>
      %swap3A_168 = vector.shape_cast %mul3A_162 : vector<16xf32> to vector<16xf32>
      tpu.vector_store %arg8[%swap3A_165], %swap3A_168 {strides = array<i32>} : memref<4096xf32, #tpu.memory_space<vmem>>, vector<16xf32>,
      %broadcast_in_dim3A_169 = arith.constant 0.000000e+00 : f32
      %broadcast_in_dim3A_170 = vector.broadcast %broadcast_in_dim3A_169 : f32 to vector<16xf32>
      %broadcast_in_dim3A_171 = arith.constant 0.000000e+00 : f32
      %broadcast_in_dim3A_172 = vector.broadcast %broadcast_in_dim3A_171 : f32 to vector<16xf32>
      %broadcast_in_dim3A_173 = arith.constant 0.000000e+00 : f32
      %broadcast_in_dim3A_174 = vector.broadcast %broadcast_in_dim3A_173 : f32 to vector<16xf32>
      %broadcast_in_dim3A_175 = arith.constant 0.000000e+00 : f32
      %broadcast_in_dim3A_176 = vector.broadcast %broadcast_in_dim3A_175 : f32 to vector<16xf32>
      %broadcast_in_dim3A_177 = arith.constant 0.000000e+00 : f32
      %broadcast_in_dim3A_178 = vector.broadcast %broadcast_in_dim3A_177 : f32 to vector<16xf32>
      %broadcast_in_dim3A_179 = arith.constant 0.000000e+00 : f32
      %broadcast_in_dim3A_180 = vector.broadcast %broadcast_in_dim3A_179 : f32 to vector<16xf32>
      %broadcast_in_dim3A_181 = arith.constant 0.000000e+00 : f32
      %broadcast_in_dim3A_182 = vector.broadcast %broadcast_in_dim3A_181 : f32 to vector<16xf32>
      %broadcast_in_dim3A_183 = arith.constant 0.000000e+00 : f32
      %broadcast_in_dim3A_184 = vector.broadcast %broadcast_in_dim3A_183 : f32 to vector<16xf32>
      %scan3A_185 = arith.constant 0 : i32
      %scan3A_186 = arith.constant 50 : i32
      %scan3A_187 = arith.addi %scan3A_185, %scan3A_186 : i32
      %scan3A_188 = arith.constant 1 : i32
      %scan3A_189:8 = scf.for %scan3A_410 = %scan3A_185 to %scan3A_187 step %scan3A_188 iter_args(%scan3A_411 = %broadcast_in_dim3A_170, %scan3A_412 = %broadcast_in_dim3A_172, %scan3A_413 = %broadcast_in_dim3A_174, %scan3A_414 = %broadcast_in_dim3A_176, %scan3A_415 = %broadcast_in_dim3A_178, %scan3A_416 = %broadcast_in_dim3A_180, %scan3A_417 = %broadcast_in_dim3A_182, %scan3A_418 = %broadcast_in_dim3A_184) -> (vector<16xf32>, vector<16xf32>, vector<16xf32>, vector<16xf32>, vector<16xf32>, vector<16xf32>, vector<16xf32>, vector<16xf32>)  : i32 {
        %mul3A_419 = arith.constant 4 : i32
        %mul3A_420 = arith.muli %scan3A_410, %mul3A_419 : i32
        %add3A_421 = arith.constant 600 : i32
        %add3A_422 = arith.addi %add3A_421, %mul3A_420 : i32
        %add3A_423 = arith.constant 0 : i32
        %add3A_424 = arith.addi %add3A_422, %add3A_423 : i32
        %get3A = arith.index_cast %add3A_424 : i32 to index
        %get3A_425 = arith.constant 0 : index
        %get3A_426 = tpu.vector_load %arg6[%get3A, %get3A_425] {strides = array<i32>} : memref<800x32xf32, #tpu.memory_space<vmem>>, vector<1x16xf32>,
        %get3A_427 = vector.shape_cast %get3A_426 : vector<1x16xf32> to vector<16xf32>
        %add3A_428 = arith.addf %scan3A_411, %get3A_427 : vector<16xf32>
        %add3A_429 = arith.constant 0 : i32
        %add3A_430 = arith.addi %add3A_422, %add3A_429 : i32
        %get3A_431 = arith.index_cast %add3A_430 : i32 to index
        %get3A_432 = arith.constant 16 : index
        %get3A_433 = tpu.vector_load %arg6[%get3A_431, %get3A_432] {strides = array<i32>} : memref<800x32xf32, #tpu.memory_space<vmem>>, vector<1x16xf32>,
        %get3A_434 = vector.shape_cast %get3A_433 : vector<1x16xf32> to vector<16xf32>
        %add3A_435 = arith.addf %scan3A_412, %get3A_434 : vector<16xf32>
        %add3A_436 = arith.constant 1 : i32
        %add3A_437 = arith.addi %add3A_422, %add3A_436 : i32
        %get3A_438 = arith.index_cast %add3A_437 : i32 to index
        %get3A_439 = arith.constant 0 : index
        %get3A_440 = tpu.vector_load %arg6[%get3A_438, %get3A_439] {strides = array<i32>} : memref<800x32xf32, #tpu.memory_space<vmem>>, vector<1x16xf32>,
        %get3A_441 = vector.shape_cast %get3A_440 : vector<1x16xf32> to vector<16xf32>
        %add3A_442 = arith.addf %scan3A_413, %get3A_441 : vector<16xf32>
        %add3A_443 = arith.constant 1 : i32
        %add3A_444 = arith.addi %add3A_422, %add3A_443 : i32
        %get3A_445 = arith.index_cast %add3A_444 : i32 to index
        %get3A_446 = arith.constant 16 : index
        %get3A_447 = tpu.vector_load %arg6[%get3A_445, %get3A_446] {strides = array<i32>} : memref<800x32xf32, #tpu.memory_space<vmem>>, vector<1x16xf32>,
        %get3A_448 = vector.shape_cast %get3A_447 : vector<1x16xf32> to vector<16xf32>
        %add3A_449 = arith.addf %scan3A_414, %get3A_448 : vector<16xf32>
        %add3A_450 = arith.constant 2 : i32
        %add3A_451 = arith.addi %add3A_422, %add3A_450 : i32
        %get3A_452 = arith.index_cast %add3A_451 : i32 to index
        %get3A_453 = arith.constant 0 : index
        %get3A_454 = tpu.vector_load %arg6[%get3A_452, %get3A_453] {strides = array<i32>} : memref<800x32xf32, #tpu.memory_space<vmem>>, vector<1x16xf32>,
        %get3A_455 = vector.shape_cast %get3A_454 : vector<1x16xf32> to vector<16xf32>
        %add3A_456 = arith.addf %scan3A_415, %get3A_455 : vector<16xf32>
        %add3A_457 = arith.constant 2 : i32
        %add3A_458 = arith.addi %add3A_422, %add3A_457 : i32
        %get3A_459 = arith.index_cast %add3A_458 : i32 to index
        %get3A_460 = arith.constant 16 : index
        %get3A_461 = tpu.vector_load %arg6[%get3A_459, %get3A_460] {strides = array<i32>} : memref<800x32xf32, #tpu.memory_space<vmem>>, vector<1x16xf32>,
        %get3A_462 = vector.shape_cast %get3A_461 : vector<1x16xf32> to vector<16xf32>
        %add3A_463 = arith.addf %scan3A_416, %get3A_462 : vector<16xf32>
        %add3A_464 = arith.constant 3 : i32
        %add3A_465 = arith.addi %add3A_422, %add3A_464 : i32
        %get3A_466 = arith.index_cast %add3A_465 : i32 to index
        %get3A_467 = arith.constant 0 : index
        %get3A_468 = tpu.vector_load %arg6[%get3A_466, %get3A_467] {strides = array<i32>} : memref<800x32xf32, #tpu.memory_space<vmem>>, vector<1x16xf32>,
        %get3A_469 = vector.shape_cast %get3A_468 : vector<1x16xf32> to vector<16xf32>
        %add3A_470 = arith.addf %scan3A_417, %get3A_469 : vector<16xf32>
        %add3A_471 = arith.constant 3 : i32
        %add3A_472 = arith.addi %add3A_422, %add3A_471 : i32
        %get3A_473 = arith.index_cast %add3A_472 : i32 to index
        %get3A_474 = arith.constant 16 : index
        %get3A_475 = tpu.vector_load %arg6[%get3A_473, %get3A_474] {strides = array<i32>} : memref<800x32xf32, #tpu.memory_space<vmem>>, vector<1x16xf32>,
        %get3A_476 = vector.shape_cast %get3A_475 : vector<1x16xf32> to vector<16xf32>
        %add3A_477 = arith.addf %scan3A_418, %get3A_476 : vector<16xf32>
        scf.yield %add3A_428, %add3A_435, %add3A_442, %add3A_449, %add3A_456, %add3A_463, %add3A_470, %add3A_477 : vector<16xf32>, vector<16xf32>, vector<16xf32>, vector<16xf32>, vector<16xf32>, vector<16xf32>, vector<16xf32>, vector<16xf32>
      }
      %scan3A_190 = arith.constant 50 : i32
      %add3A_191 = arith.addf %scan3A_189#0, %scan3A_189#2 : vector<16xf32>
      %add3A_192 = arith.addf %scan3A_189#4, %scan3A_189#6 : vector<16xf32>
      %add3A_193 = arith.addf %add3A_191, %add3A_192 : vector<16xf32>
      %add3A_194 = arith.addf %scan3A_189#1, %scan3A_189#3 : vector<16xf32>
      %add3A_195 = arith.addf %scan3A_189#5, %scan3A_189#7 : vector<16xf32>
      %add3A_196 = arith.addf %add3A_194, %add3A_195 : vector<16xf32>
      %mul3A_197 = arith.constant 4 : i32
      %mul3A_198 = arith.muli %mul3A_17, %mul3A_197 : i32
      %add3A_199 = arith.constant 3 : i32
      %add3A_200 = arith.addi %mul3A_198, %add3A_199 : i32
      %mul3A_201 = arith.constant 32 : i32
      %mul3A_202 = arith.muli %add3A_200, %mul3A_201 : i32
      %mul3A_203 = arith.mulf %add3A_193, %broadcast_in_dim3A_3 : vector<16xf32>
      %swap3A_204 = arith.index_cast %mul3A_202 : i32 to index
      %swap3A_205 = tpu.vector_load %arg8[%swap3A_204] {strides = array<i32>} : memref<4096xf32, #tpu.memory_space<vmem>>, vector<16xf32>,
      %swap3A_206 = vector.shape_cast %swap3A_205 : vector<16xf32> to vector<16xf32>
      %swap3A_207 = vector.shape_cast %mul3A_203 : vector<16xf32> to vector<16xf32>
      tpu.vector_store %arg8[%swap3A_204], %swap3A_207 {strides = array<i32>} : memref<4096xf32, #tpu.memory_space<vmem>>, vector<16xf32>,
      %mul3A_208 = arith.mulf %add3A_196, %broadcast_in_dim3A_3 : vector<16xf32>
      %add3A_209 = arith.constant 16 : i32
      %add3A_210 = arith.addi %mul3A_202, %add3A_209 : i32
      %swap3A_211 = arith.index_cast %add3A_210 : i32 to index
      %swap3A_212 = tpu.vector_load %arg8[%swap3A_211] {strides = array<i32>} : memref<4096xf32, #tpu.memory_space<vmem>>, vector<16xf32>,
      %swap3A_213 = vector.shape_cast %swap3A_212 : vector<16xf32> to vector<16xf32>
      %swap3A_214 = vector.shape_cast %mul3A_208 : vector<16xf32> to vector<16xf32>
      tpu.vector_store %arg8[%swap3A_211], %swap3A_214 {strides = array<i32>} : memref<4096xf32, #tpu.memory_space<vmem>>, vector<16xf32>,
      %dma_wait3A_215 = arith.constant 0 : i32
      %dma_wait3A_216 = arith.constant 0 : i32
      %dma_wait3A_217 = tpu.memref_slice %arg5[%dma_wait3A_215, %dma_wait3A_216] : memref<32x800xi32, #tpu.memory_space<vmem>> -> memref<1x800xi32, #tpu.memory_space<vmem>>
      %dma_wait3A_218 = tpu.memref_squeeze %dma_wait3A_217 : memref<1x800xi32, #tpu.memory_space<vmem>> -> memref<800xi32, #tpu.memory_space<vmem>>
      %dma_wait3A_219 = arith.constant 0 : i32
      %dma_wait3A_220 = arith.constant 0 : i32
      %dma_wait3A_221 = tpu.memref_slice %arg3[%dma_wait3A_219, %dma_wait3A_220] : memref<1000000x32xf32, #tpu.memory_space<hbm>> -> memref<1000000x32xf32, #tpu.memory_space<hbm>>
      tpu.wait_indirect_dma semaphore(%arg10 : memref<!tpu.dma_semaphore, #tpu.memory_space<semaphore_mem>>) src(%dma_wait3A_221 : memref<1000000x32xf32, #tpu.memory_space<hbm>>) dst(%arg7 : memref<800x32xf32, #tpu.memory_space<vmem>>)
      %lt3A = arith.constant 15 : i32
      %lt3A_222 = arith.cmpi slt, %scan3A_15, %lt3A : i32
      %convert_element_type3A = arith.extui %lt3A_222 : i1 to i32
      %cond3A = arith.constant 0 : i32
      %cond3A_223 = arith.cmpi ne, %convert_element_type3A, %cond3A : i32
      scf.if %cond3A_223 {
        %add3A_410 = arith.constant 2 : i32
        %add3A_411 = arith.addi %mul3A_17, %add3A_410 : i32
        %dma_start3A_412 = arith.constant 0 : i32
        %dma_start3A_413 = tpu.memref_slice %arg5[%add3A_411, %dma_start3A_412] : memref<32x800xi32, #tpu.memory_space<vmem>> -> memref<1x800xi32, #tpu.memory_space<vmem>>
        %dma_start3A_414 = tpu.memref_squeeze %dma_start3A_413 : memref<1x800xi32, #tpu.memory_space<vmem>> -> memref<800xi32, #tpu.memory_space<vmem>>
        %dma_start3A_415 = arith.constant 0 : i32
        %dma_start3A_416 = arith.constant 0 : i32
        %dma_start3A_417 = tpu.memref_slice %arg3[%dma_start3A_415, %dma_start3A_416] : memref<1000000x32xf32, #tpu.memory_space<hbm>> -> memref<1000000x32xf32, #tpu.memory_space<hbm>>
        tpu.enqueue_indirect_dma source(%dma_start3A_417 : memref<1000000x32xf32, #tpu.memory_space<hbm>>) target(%arg6 : memref<800x32xf32, #tpu.memory_space<vmem>>) offsets(%dma_start3A_414 : memref<800xi32, #tpu.memory_space<vmem>>) semaphore(%arg9 : memref<!tpu.dma_semaphore, #tpu.memory_space<semaphore_mem>>)
      } else {
      }
      %add3A_224 = arith.constant 1 : i32
      %add3A_225 = arith.addi %mul3A_17, %add3A_224 : i32
      %broadcast_in_dim3A_226 = arith.constant 0.000000e+00 : f32
      %broadcast_in_dim3A_227 = vector.broadcast %broadcast_in_dim3A_226 : f32 to vector<16xf32>
      %broadcast_in_dim3A_228 = arith.constant 0.000000e+00 : f32
      %broadcast_in_dim3A_229 = vector.broadcast %broadcast_in_dim3A_228 : f32 to vector<16xf32>
      %broadcast_in_dim3A_230 = arith.constant 0.000000e+00 : f32
      %broadcast_in_dim3A_231 = vector.broadcast %broadcast_in_dim3A_230 : f32 to vector<16xf32>
      %broadcast_in_dim3A_232 = arith.constant 0.000000e+00 : f32
      %broadcast_in_dim3A_233 = vector.broadcast %broadcast_in_dim3A_232 : f32 to vector<16xf32>
      %broadcast_in_dim3A_234 = arith.constant 0.000000e+00 : f32
      %broadcast_in_dim3A_235 = vector.broadcast %broadcast_in_dim3A_234 : f32 to vector<16xf32>
      %broadcast_in_dim3A_236 = arith.constant 0.000000e+00 : f32
      %broadcast_in_dim3A_237 = vector.broadcast %broadcast_in_dim3A_236 : f32 to vector<16xf32>
      %broadcast_in_dim3A_238 = arith.constant 0.000000e+00 : f32
      %broadcast_in_dim3A_239 = vector.broadcast %broadcast_in_dim3A_238 : f32 to vector<16xf32>
      %broadcast_in_dim3A_240 = arith.constant 0.000000e+00 : f32
      %broadcast_in_dim3A_241 = vector.broadcast %broadcast_in_dim3A_240 : f32 to vector<16xf32>
      %scan3A_242 = arith.constant 0 : i32
      %scan3A_243 = arith.constant 50 : i32
      %scan3A_244 = arith.addi %scan3A_242, %scan3A_243 : i32
      %scan3A_245 = arith.constant 1 : i32
      %scan3A_246:8 = scf.for %scan3A_410 = %scan3A_242 to %scan3A_244 step %scan3A_245 iter_args(%scan3A_411 = %broadcast_in_dim3A_227, %scan3A_412 = %broadcast_in_dim3A_229, %scan3A_413 = %broadcast_in_dim3A_231, %scan3A_414 = %broadcast_in_dim3A_233, %scan3A_415 = %broadcast_in_dim3A_235, %scan3A_416 = %broadcast_in_dim3A_237, %scan3A_417 = %broadcast_in_dim3A_239, %scan3A_418 = %broadcast_in_dim3A_241) -> (vector<16xf32>, vector<16xf32>, vector<16xf32>, vector<16xf32>, vector<16xf32>, vector<16xf32>, vector<16xf32>, vector<16xf32>)  : i32 {
        %mul3A_419 = arith.constant 4 : i32
        %mul3A_420 = arith.muli %scan3A_410, %mul3A_419 : i32
        %add3A_421 = arith.constant 0 : i32
        %add3A_422 = arith.addi %add3A_421, %mul3A_420 : i32
        %add3A_423 = arith.constant 0 : i32
        %add3A_424 = arith.addi %add3A_422, %add3A_423 : i32
        %get3A = arith.index_cast %add3A_424 : i32 to index
        %get3A_425 = arith.constant 0 : index
        %get3A_426 = tpu.vector_load %arg7[%get3A, %get3A_425] {strides = array<i32>} : memref<800x32xf32, #tpu.memory_space<vmem>>, vector<1x16xf32>,
        %get3A_427 = vector.shape_cast %get3A_426 : vector<1x16xf32> to vector<16xf32>
        %add3A_428 = arith.addf %scan3A_411, %get3A_427 : vector<16xf32>
        %add3A_429 = arith.constant 0 : i32
        %add3A_430 = arith.addi %add3A_422, %add3A_429 : i32
        %get3A_431 = arith.index_cast %add3A_430 : i32 to index
        %get3A_432 = arith.constant 16 : index
        %get3A_433 = tpu.vector_load %arg7[%get3A_431, %get3A_432] {strides = array<i32>} : memref<800x32xf32, #tpu.memory_space<vmem>>, vector<1x16xf32>,
        %get3A_434 = vector.shape_cast %get3A_433 : vector<1x16xf32> to vector<16xf32>
        %add3A_435 = arith.addf %scan3A_412, %get3A_434 : vector<16xf32>
        %add3A_436 = arith.constant 1 : i32
        %add3A_437 = arith.addi %add3A_422, %add3A_436 : i32
        %get3A_438 = arith.index_cast %add3A_437 : i32 to index
        %get3A_439 = arith.constant 0 : index
        %get3A_440 = tpu.vector_load %arg7[%get3A_438, %get3A_439] {strides = array<i32>} : memref<800x32xf32, #tpu.memory_space<vmem>>, vector<1x16xf32>,
        %get3A_441 = vector.shape_cast %get3A_440 : vector<1x16xf32> to vector<16xf32>
        %add3A_442 = arith.addf %scan3A_413, %get3A_441 : vector<16xf32>
        %add3A_443 = arith.constant 1 : i32
        %add3A_444 = arith.addi %add3A_422, %add3A_443 : i32
        %get3A_445 = arith.index_cast %add3A_444 : i32 to index
        %get3A_446 = arith.constant 16 : index
        %get3A_447 = tpu.vector_load %arg7[%get3A_445, %get3A_446] {strides = array<i32>} : memref<800x32xf32, #tpu.memory_space<vmem>>, vector<1x16xf32>,
        %get3A_448 = vector.shape_cast %get3A_447 : vector<1x16xf32> to vector<16xf32>
        %add3A_449 = arith.addf %scan3A_414, %get3A_448 : vector<16xf32>
        %add3A_450 = arith.constant 2 : i32
        %add3A_451 = arith.addi %add3A_422, %add3A_450 : i32
        %get3A_452 = arith.index_cast %add3A_451 : i32 to index
        %get3A_453 = arith.constant 0 : index
        %get3A_454 = tpu.vector_load %arg7[%get3A_452, %get3A_453] {strides = array<i32>} : memref<800x32xf32, #tpu.memory_space<vmem>>, vector<1x16xf32>,
        %get3A_455 = vector.shape_cast %get3A_454 : vector<1x16xf32> to vector<16xf32>
        %add3A_456 = arith.addf %scan3A_415, %get3A_455 : vector<16xf32>
        %add3A_457 = arith.constant 2 : i32
        %add3A_458 = arith.addi %add3A_422, %add3A_457 : i32
        %get3A_459 = arith.index_cast %add3A_458 : i32 to index
        %get3A_460 = arith.constant 16 : index
        %get3A_461 = tpu.vector_load %arg7[%get3A_459, %get3A_460] {strides = array<i32>} : memref<800x32xf32, #tpu.memory_space<vmem>>, vector<1x16xf32>,
        %get3A_462 = vector.shape_cast %get3A_461 : vector<1x16xf32> to vector<16xf32>
        %add3A_463 = arith.addf %scan3A_416, %get3A_462 : vector<16xf32>
        %add3A_464 = arith.constant 3 : i32
        %add3A_465 = arith.addi %add3A_422, %add3A_464 : i32
        %get3A_466 = arith.index_cast %add3A_465 : i32 to index
        %get3A_467 = arith.constant 0 : index
        %get3A_468 = tpu.vector_load %arg7[%get3A_466, %get3A_467] {strides = array<i32>} : memref<800x32xf32, #tpu.memory_space<vmem>>, vector<1x16xf32>,
        %get3A_469 = vector.shape_cast %get3A_468 : vector<1x16xf32> to vector<16xf32>
        %add3A_470 = arith.addf %scan3A_417, %get3A_469 : vector<16xf32>
        %add3A_471 = arith.constant 3 : i32
        %add3A_472 = arith.addi %add3A_422, %add3A_471 : i32
        %get3A_473 = arith.index_cast %add3A_472 : i32 to index
        %get3A_474 = arith.constant 16 : index
        %get3A_475 = tpu.vector_load %arg7[%get3A_473, %get3A_474] {strides = array<i32>} : memref<800x32xf32, #tpu.memory_space<vmem>>, vector<1x16xf32>,
        %get3A_476 = vector.shape_cast %get3A_475 : vector<1x16xf32> to vector<16xf32>
        %add3A_477 = arith.addf %scan3A_418, %get3A_476 : vector<16xf32>
        scf.yield %add3A_428, %add3A_435, %add3A_442, %add3A_449, %add3A_456, %add3A_463, %add3A_470, %add3A_477 : vector<16xf32>, vector<16xf32>, vector<16xf32>, vector<16xf32>, vector<16xf32>, vector<16xf32>, vector<16xf32>, vector<16xf32>
      }
      %scan3A_247 = arith.constant 50 : i32
      %add3A_248 = arith.addf %scan3A_246#0, %scan3A_246#2 : vector<16xf32>
      %add3A_249 = arith.addf %scan3A_246#4, %scan3A_246#6 : vector<16xf32>
      %add3A_250 = arith.addf %add3A_248, %add3A_249 : vector<16xf32>
      %add3A_251 = arith.addf %scan3A_246#1, %scan3A_246#3 : vector<16xf32>
      %add3A_252 = arith.addf %scan3A_246#5, %scan3A_246#7 : vector<16xf32>
      %add3A_253 = arith.addf %add3A_251, %add3A_252 : vector<16xf32>
      %mul3A_254 = arith.constant 4 : i32
      %mul3A_255 = arith.muli %add3A_225, %mul3A_254 : i32
      %add3A_256 = arith.constant 0 : i32
      %add3A_257 = arith.addi %mul3A_255, %add3A_256 : i32
      %mul3A_258 = arith.constant 32 : i32
      %mul3A_259 = arith.muli %add3A_257, %mul3A_258 : i32
      %mul3A_260 = arith.mulf %add3A_250, %broadcast_in_dim3A_3 : vector<16xf32>
      %swap3A_261 = arith.index_cast %mul3A_259 : i32 to index
      %swap3A_262 = tpu.vector_load %arg8[%swap3A_261] {strides = array<i32>} : memref<4096xf32, #tpu.memory_space<vmem>>, vector<16xf32>,
      %swap3A_263 = vector.shape_cast %swap3A_262 : vector<16xf32> to vector<16xf32>
      %swap3A_264 = vector.shape_cast %mul3A_260 : vector<16xf32> to vector<16xf32>
      tpu.vector_store %arg8[%swap3A_261], %swap3A_264 {strides = array<i32>} : memref<4096xf32, #tpu.memory_space<vmem>>, vector<16xf32>,
      %mul3A_265 = arith.mulf %add3A_253, %broadcast_in_dim3A_3 : vector<16xf32>
      %add3A_266 = arith.constant 16 : i32
      %add3A_267 = arith.addi %mul3A_259, %add3A_266 : i32
      %swap3A_268 = arith.index_cast %add3A_267 : i32 to index
      %swap3A_269 = tpu.vector_load %arg8[%swap3A_268] {strides = array<i32>} : memref<4096xf32, #tpu.memory_space<vmem>>, vector<16xf32>,
      %swap3A_270 = vector.shape_cast %swap3A_269 : vector<16xf32> to vector<16xf32>
      %swap3A_271 = vector.shape_cast %mul3A_265 : vector<16xf32> to vector<16xf32>
      tpu.vector_store %arg8[%swap3A_268], %swap3A_271 {strides = array<i32>} : memref<4096xf32, #tpu.memory_space<vmem>>, vector<16xf32>,
      %broadcast_in_dim3A_272 = arith.constant 0.000000e+00 : f32
      %broadcast_in_dim3A_273 = vector.broadcast %broadcast_in_dim3A_272 : f32 to vector<16xf32>
      %broadcast_in_dim3A_274 = arith.constant 0.000000e+00 : f32
      %broadcast_in_dim3A_275 = vector.broadcast %broadcast_in_dim3A_274 : f32 to vector<16xf32>
      %broadcast_in_dim3A_276 = arith.constant 0.000000e+00 : f32
      %broadcast_in_dim3A_277 = vector.broadcast %broadcast_in_dim3A_276 : f32 to vector<16xf32>
      %broadcast_in_dim3A_278 = arith.constant 0.000000e+00 : f32
      %broadcast_in_dim3A_279 = vector.broadcast %broadcast_in_dim3A_278 : f32 to vector<16xf32>
      %broadcast_in_dim3A_280 = arith.constant 0.000000e+00 : f32
      %broadcast_in_dim3A_281 = vector.broadcast %broadcast_in_dim3A_280 : f32 to vector<16xf32>
      %broadcast_in_dim3A_282 = arith.constant 0.000000e+00 : f32
      %broadcast_in_dim3A_283 = vector.broadcast %broadcast_in_dim3A_282 : f32 to vector<16xf32>
      %broadcast_in_dim3A_284 = arith.constant 0.000000e+00 : f32
      %broadcast_in_dim3A_285 = vector.broadcast %broadcast_in_dim3A_284 : f32 to vector<16xf32>
      %broadcast_in_dim3A_286 = arith.constant 0.000000e+00 : f32
      %broadcast_in_dim3A_287 = vector.broadcast %broadcast_in_dim3A_286 : f32 to vector<16xf32>
      %scan3A_288 = arith.constant 0 : i32
      %scan3A_289 = arith.constant 50 : i32
      %scan3A_290 = arith.addi %scan3A_288, %scan3A_289 : i32
      %scan3A_291 = arith.constant 1 : i32
      %scan3A_292:8 = scf.for %scan3A_410 = %scan3A_288 to %scan3A_290 step %scan3A_291 iter_args(%scan3A_411 = %broadcast_in_dim3A_273, %scan3A_412 = %broadcast_in_dim3A_275, %scan3A_413 = %broadcast_in_dim3A_277, %scan3A_414 = %broadcast_in_dim3A_279, %scan3A_415 = %broadcast_in_dim3A_281, %scan3A_416 = %broadcast_in_dim3A_283, %scan3A_417 = %broadcast_in_dim3A_285, %scan3A_418 = %broadcast_in_dim3A_287) -> (vector<16xf32>, vector<16xf32>, vector<16xf32>, vector<16xf32>, vector<16xf32>, vector<16xf32>, vector<16xf32>, vector<16xf32>)  : i32 {
        %mul3A_419 = arith.constant 4 : i32
        %mul3A_420 = arith.muli %scan3A_410, %mul3A_419 : i32
        %add3A_421 = arith.constant 200 : i32
        %add3A_422 = arith.addi %add3A_421, %mul3A_420 : i32
        %add3A_423 = arith.constant 0 : i32
        %add3A_424 = arith.addi %add3A_422, %add3A_423 : i32
        %get3A = arith.index_cast %add3A_424 : i32 to index
        %get3A_425 = arith.constant 0 : index
        %get3A_426 = tpu.vector_load %arg7[%get3A, %get3A_425] {strides = array<i32>} : memref<800x32xf32, #tpu.memory_space<vmem>>, vector<1x16xf32>,
        %get3A_427 = vector.shape_cast %get3A_426 : vector<1x16xf32> to vector<16xf32>
        %add3A_428 = arith.addf %scan3A_411, %get3A_427 : vector<16xf32>
        %add3A_429 = arith.constant 0 : i32
        %add3A_430 = arith.addi %add3A_422, %add3A_429 : i32
        %get3A_431 = arith.index_cast %add3A_430 : i32 to index
        %get3A_432 = arith.constant 16 : index
        %get3A_433 = tpu.vector_load %arg7[%get3A_431, %get3A_432] {strides = array<i32>} : memref<800x32xf32, #tpu.memory_space<vmem>>, vector<1x16xf32>,
        %get3A_434 = vector.shape_cast %get3A_433 : vector<1x16xf32> to vector<16xf32>
        %add3A_435 = arith.addf %scan3A_412, %get3A_434 : vector<16xf32>
        %add3A_436 = arith.constant 1 : i32
        %add3A_437 = arith.addi %add3A_422, %add3A_436 : i32
        %get3A_438 = arith.index_cast %add3A_437 : i32 to index
        %get3A_439 = arith.constant 0 : index
        %get3A_440 = tpu.vector_load %arg7[%get3A_438, %get3A_439] {strides = array<i32>} : memref<800x32xf32, #tpu.memory_space<vmem>>, vector<1x16xf32>,
        %get3A_441 = vector.shape_cast %get3A_440 : vector<1x16xf32> to vector<16xf32>
        %add3A_442 = arith.addf %scan3A_413, %get3A_441 : vector<16xf32>
        %add3A_443 = arith.constant 1 : i32
        %add3A_444 = arith.addi %add3A_422, %add3A_443 : i32
        %get3A_445 = arith.index_cast %add3A_444 : i32 to index
        %get3A_446 = arith.constant 16 : index
        %get3A_447 = tpu.vector_load %arg7[%get3A_445, %get3A_446] {strides = array<i32>} : memref<800x32xf32, #tpu.memory_space<vmem>>, vector<1x16xf32>,
        %get3A_448 = vector.shape_cast %get3A_447 : vector<1x16xf32> to vector<16xf32>
        %add3A_449 = arith.addf %scan3A_414, %get3A_448 : vector<16xf32>
        %add3A_450 = arith.constant 2 : i32
        %add3A_451 = arith.addi %add3A_422, %add3A_450 : i32
        %get3A_452 = arith.index_cast %add3A_451 : i32 to index
        %get3A_453 = arith.constant 0 : index
        %get3A_454 = tpu.vector_load %arg7[%get3A_452, %get3A_453] {strides = array<i32>} : memref<800x32xf32, #tpu.memory_space<vmem>>, vector<1x16xf32>,
        %get3A_455 = vector.shape_cast %get3A_454 : vector<1x16xf32> to vector<16xf32>
        %add3A_456 = arith.addf %scan3A_415, %get3A_455 : vector<16xf32>
        %add3A_457 = arith.constant 2 : i32
        %add3A_458 = arith.addi %add3A_422, %add3A_457 : i32
        %get3A_459 = arith.index_cast %add3A_458 : i32 to index
        %get3A_460 = arith.constant 16 : index
        %get3A_461 = tpu.vector_load %arg7[%get3A_459, %get3A_460] {strides = array<i32>} : memref<800x32xf32, #tpu.memory_space<vmem>>, vector<1x16xf32>,
        %get3A_462 = vector.shape_cast %get3A_461 : vector<1x16xf32> to vector<16xf32>
        %add3A_463 = arith.addf %scan3A_416, %get3A_462 : vector<16xf32>
        %add3A_464 = arith.constant 3 : i32
        %add3A_465 = arith.addi %add3A_422, %add3A_464 : i32
        %get3A_466 = arith.index_cast %add3A_465 : i32 to index
        %get3A_467 = arith.constant 0 : index
        %get3A_468 = tpu.vector_load %arg7[%get3A_466, %get3A_467] {strides = array<i32>} : memref<800x32xf32, #tpu.memory_space<vmem>>, vector<1x16xf32>,
        %get3A_469 = vector.shape_cast %get3A_468 : vector<1x16xf32> to vector<16xf32>
        %add3A_470 = arith.addf %scan3A_417, %get3A_469 : vector<16xf32>
        %add3A_471 = arith.constant 3 : i32
        %add3A_472 = arith.addi %add3A_422, %add3A_471 : i32
        %get3A_473 = arith.index_cast %add3A_472 : i32 to index
        %get3A_474 = arith.constant 16 : index
        %get3A_475 = tpu.vector_load %arg7[%get3A_473, %get3A_474] {strides = array<i32>} : memref<800x32xf32, #tpu.memory_space<vmem>>, vector<1x16xf32>,
        %get3A_476 = vector.shape_cast %get3A_475 : vector<1x16xf32> to vector<16xf32>
        %add3A_477 = arith.addf %scan3A_418, %get3A_476 : vector<16xf32>
        scf.yield %add3A_428, %add3A_435, %add3A_442, %add3A_449, %add3A_456, %add3A_463, %add3A_470, %add3A_477 : vector<16xf32>, vector<16xf32>, vector<16xf32>, vector<16xf32>, vector<16xf32>, vector<16xf32>, vector<16xf32>, vector<16xf32>
      }
      %scan3A_293 = arith.constant 50 : i32
      %add3A_294 = arith.addf %scan3A_292#0, %scan3A_292#2 : vector<16xf32>
      %add3A_295 = arith.addf %scan3A_292#4, %scan3A_292#6 : vector<16xf32>
      %add3A_296 = arith.addf %add3A_294, %add3A_295 : vector<16xf32>
      %add3A_297 = arith.addf %scan3A_292#1, %scan3A_292#3 : vector<16xf32>
      %add3A_298 = arith.addf %scan3A_292#5, %scan3A_292#7 : vector<16xf32>
      %add3A_299 = arith.addf %add3A_297, %add3A_298 : vector<16xf32>
      %mul3A_300 = arith.constant 4 : i32
      %mul3A_301 = arith.muli %add3A_225, %mul3A_300 : i32
      %add3A_302 = arith.constant 1 : i32
      %add3A_303 = arith.addi %mul3A_301, %add3A_302 : i32
      %mul3A_304 = arith.constant 32 : i32
      %mul3A_305 = arith.muli %add3A_303, %mul3A_304 : i32
      %mul3A_306 = arith.mulf %add3A_296, %broadcast_in_dim3A_3 : vector<16xf32>
      %swap3A_307 = arith.index_cast %mul3A_305 : i32 to index
      %swap3A_308 = tpu.vector_load %arg8[%swap3A_307] {strides = array<i32>} : memref<4096xf32, #tpu.memory_space<vmem>>, vector<16xf32>,
      %swap3A_309 = vector.shape_cast %swap3A_308 : vector<16xf32> to vector<16xf32>
      %swap3A_310 = vector.shape_cast %mul3A_306 : vector<16xf32> to vector<16xf32>
      tpu.vector_store %arg8[%swap3A_307], %swap3A_310 {strides = array<i32>} : memref<4096xf32, #tpu.memory_space<vmem>>, vector<16xf32>,
      %mul3A_311 = arith.mulf %add3A_299, %broadcast_in_dim3A_3 : vector<16xf32>
      %add3A_312 = arith.constant 16 : i32
      %add3A_313 = arith.addi %mul3A_305, %add3A_312 : i32
      %swap3A_314 = arith.index_cast %add3A_313 : i32 to index
      %swap3A_315 = tpu.vector_load %arg8[%swap3A_314] {strides = array<i32>} : memref<4096xf32, #tpu.memory_space<vmem>>, vector<16xf32>,
      %swap3A_316 = vector.shape_cast %swap3A_315 : vector<16xf32> to vector<16xf32>
      %swap3A_317 = vector.shape_cast %mul3A_311 : vector<16xf32> to vector<16xf32>
      tpu.vector_store %arg8[%swap3A_314], %swap3A_317 {strides = array<i32>} : memref<4096xf32, #tpu.memory_space<vmem>>, vector<16xf32>,
      %broadcast_in_dim3A_318 = arith.constant 0.000000e+00 : f32
      %broadcast_in_dim3A_319 = vector.broadcast %broadcast_in_dim3A_318 : f32 to vector<16xf32>
      %broadcast_in_dim3A_320 = arith.constant 0.000000e+00 : f32
      %broadcast_in_dim3A_321 = vector.broadcast %broadcast_in_dim3A_320 : f32 to vector<16xf32>
      %broadcast_in_dim3A_322 = arith.constant 0.000000e+00 : f32
      %broadcast_in_dim3A_323 = vector.broadcast %broadcast_in_dim3A_322 : f32 to vector<16xf32>
      %broadcast_in_dim3A_324 = arith.constant 0.000000e+00 : f32
      %broadcast_in_dim3A_325 = vector.broadcast %broadcast_in_dim3A_324 : f32 to vector<16xf32>
      %broadcast_in_dim3A_326 = arith.constant 0.000000e+00 : f32
      %broadcast_in_dim3A_327 = vector.broadcast %broadcast_in_dim3A_326 : f32 to vector<16xf32>
      %broadcast_in_dim3A_328 = arith.constant 0.000000e+00 : f32
      %broadcast_in_dim3A_329 = vector.broadcast %broadcast_in_dim3A_328 : f32 to vector<16xf32>
      %broadcast_in_dim3A_330 = arith.constant 0.000000e+00 : f32
      %broadcast_in_dim3A_331 = vector.broadcast %broadcast_in_dim3A_330 : f32 to vector<16xf32>
      %broadcast_in_dim3A_332 = arith.constant 0.000000e+00 : f32
      %broadcast_in_dim3A_333 = vector.broadcast %broadcast_in_dim3A_332 : f32 to vector<16xf32>
      %scan3A_334 = arith.constant 0 : i32
      %scan3A_335 = arith.constant 50 : i32
      %scan3A_336 = arith.addi %scan3A_334, %scan3A_335 : i32
      %scan3A_337 = arith.constant 1 : i32
      %scan3A_338:8 = scf.for %scan3A_410 = %scan3A_334 to %scan3A_336 step %scan3A_337 iter_args(%scan3A_411 = %broadcast_in_dim3A_319, %scan3A_412 = %broadcast_in_dim3A_321, %scan3A_413 = %broadcast_in_dim3A_323, %scan3A_414 = %broadcast_in_dim3A_325, %scan3A_415 = %broadcast_in_dim3A_327, %scan3A_416 = %broadcast_in_dim3A_329, %scan3A_417 = %broadcast_in_dim3A_331, %scan3A_418 = %broadcast_in_dim3A_333) -> (vector<16xf32>, vector<16xf32>, vector<16xf32>, vector<16xf32>, vector<16xf32>, vector<16xf32>, vector<16xf32>, vector<16xf32>)  : i32 {
        %mul3A_419 = arith.constant 4 : i32
        %mul3A_420 = arith.muli %scan3A_410, %mul3A_419 : i32
        %add3A_421 = arith.constant 400 : i32
        %add3A_422 = arith.addi %add3A_421, %mul3A_420 : i32
        %add3A_423 = arith.constant 0 : i32
        %add3A_424 = arith.addi %add3A_422, %add3A_423 : i32
        %get3A = arith.index_cast %add3A_424 : i32 to index
        %get3A_425 = arith.constant 0 : index
        %get3A_426 = tpu.vector_load %arg7[%get3A, %get3A_425] {strides = array<i32>} : memref<800x32xf32, #tpu.memory_space<vmem>>, vector<1x16xf32>,
        %get3A_427 = vector.shape_cast %get3A_426 : vector<1x16xf32> to vector<16xf32>
        %add3A_428 = arith.addf %scan3A_411, %get3A_427 : vector<16xf32>
        %add3A_429 = arith.constant 0 : i32
        %add3A_430 = arith.addi %add3A_422, %add3A_429 : i32
        %get3A_431 = arith.index_cast %add3A_430 : i32 to index
        %get3A_432 = arith.constant 16 : index
        %get3A_433 = tpu.vector_load %arg7[%get3A_431, %get3A_432] {strides = array<i32>} : memref<800x32xf32, #tpu.memory_space<vmem>>, vector<1x16xf32>,
        %get3A_434 = vector.shape_cast %get3A_433 : vector<1x16xf32> to vector<16xf32>
        %add3A_435 = arith.addf %scan3A_412, %get3A_434 : vector<16xf32>
        %add3A_436 = arith.constant 1 : i32
        %add3A_437 = arith.addi %add3A_422, %add3A_436 : i32
        %get3A_438 = arith.index_cast %add3A_437 : i32 to index
        %get3A_439 = arith.constant 0 : index
        %get3A_440 = tpu.vector_load %arg7[%get3A_438, %get3A_439] {strides = array<i32>} : memref<800x32xf32, #tpu.memory_space<vmem>>, vector<1x16xf32>,
        %get3A_441 = vector.shape_cast %get3A_440 : vector<1x16xf32> to vector<16xf32>
        %add3A_442 = arith.addf %scan3A_413, %get3A_441 : vector<16xf32>
        %add3A_443 = arith.constant 1 : i32
        %add3A_444 = arith.addi %add3A_422, %add3A_443 : i32
        %get3A_445 = arith.index_cast %add3A_444 : i32 to index
        %get3A_446 = arith.constant 16 : index
        %get3A_447 = tpu.vector_load %arg7[%get3A_445, %get3A_446] {strides = array<i32>} : memref<800x32xf32, #tpu.memory_space<vmem>>, vector<1x16xf32>,
        %get3A_448 = vector.shape_cast %get3A_447 : vector<1x16xf32> to vector<16xf32>
        %add3A_449 = arith.addf %scan3A_414, %get3A_448 : vector<16xf32>
        %add3A_450 = arith.constant 2 : i32
        %add3A_451 = arith.addi %add3A_422, %add3A_450 : i32
        %get3A_452 = arith.index_cast %add3A_451 : i32 to index
        %get3A_453 = arith.constant 0 : index
        %get3A_454 = tpu.vector_load %arg7[%get3A_452, %get3A_453] {strides = array<i32>} : memref<800x32xf32, #tpu.memory_space<vmem>>, vector<1x16xf32>,
        %get3A_455 = vector.shape_cast %get3A_454 : vector<1x16xf32> to vector<16xf32>
        %add3A_456 = arith.addf %scan3A_415, %get3A_455 : vector<16xf32>
        %add3A_457 = arith.constant 2 : i32
        %add3A_458 = arith.addi %add3A_422, %add3A_457 : i32
        %get3A_459 = arith.index_cast %add3A_458 : i32 to index
        %get3A_460 = arith.constant 16 : index
        %get3A_461 = tpu.vector_load %arg7[%get3A_459, %get3A_460] {strides = array<i32>} : memref<800x32xf32, #tpu.memory_space<vmem>>, vector<1x16xf32>,
        %get3A_462 = vector.shape_cast %get3A_461 : vector<1x16xf32> to vector<16xf32>
        %add3A_463 = arith.addf %scan3A_416, %get3A_462 : vector<16xf32>
        %add3A_464 = arith.constant 3 : i32
        %add3A_465 = arith.addi %add3A_422, %add3A_464 : i32
        %get3A_466 = arith.index_cast %add3A_465 : i32 to index
        %get3A_467 = arith.constant 0 : index
        %get3A_468 = tpu.vector_load %arg7[%get3A_466, %get3A_467] {strides = array<i32>} : memref<800x32xf32, #tpu.memory_space<vmem>>, vector<1x16xf32>,
        %get3A_469 = vector.shape_cast %get3A_468 : vector<1x16xf32> to vector<16xf32>
        %add3A_470 = arith.addf %scan3A_417, %get3A_469 : vector<16xf32>
        %add3A_471 = arith.constant 3 : i32
        %add3A_472 = arith.addi %add3A_422, %add3A_471 : i32
        %get3A_473 = arith.index_cast %add3A_472 : i32 to index
        %get3A_474 = arith.constant 16 : index
        %get3A_475 = tpu.vector_load %arg7[%get3A_473, %get3A_474] {strides = array<i32>} : memref<800x32xf32, #tpu.memory_space<vmem>>, vector<1x16xf32>,
        %get3A_476 = vector.shape_cast %get3A_475 : vector<1x16xf32> to vector<16xf32>
        %add3A_477 = arith.addf %scan3A_418, %get3A_476 : vector<16xf32>
        scf.yield %add3A_428, %add3A_435, %add3A_442, %add3A_449, %add3A_456, %add3A_463, %add3A_470, %add3A_477 : vector<16xf32>, vector<16xf32>, vector<16xf32>, vector<16xf32>, vector<16xf32>, vector<16xf32>, vector<16xf32>, vector<16xf32>
      }
      %scan3A_339 = arith.constant 50 : i32
      %add3A_340 = arith.addf %scan3A_338#0, %scan3A_338#2 : vector<16xf32>
      %add3A_341 = arith.addf %scan3A_338#4, %scan3A_338#6 : vector<16xf32>
      %add3A_342 = arith.addf %add3A_340, %add3A_341 : vector<16xf32>
      %add3A_343 = arith.addf %scan3A_338#1, %scan3A_338#3 : vector<16xf32>
      %add3A_344 = arith.addf %scan3A_338#5, %scan3A_338#7 : vector<16xf32>
      %add3A_345 = arith.addf %add3A_343, %add3A_344 : vector<16xf32>
      %mul3A_346 = arith.constant 4 : i32
      %mul3A_347 = arith.muli %add3A_225, %mul3A_346 : i32
      %add3A_348 = arith.constant 2 : i32
      %add3A_349 = arith.addi %mul3A_347, %add3A_348 : i32
      %mul3A_350 = arith.constant 32 : i32
      %mul3A_351 = arith.muli %add3A_349, %mul3A_350 : i32
      %mul3A_352 = arith.mulf %add3A_342, %broadcast_in_dim3A_3 : vector<16xf32>
      %swap3A_353 = arith.index_cast %mul3A_351 : i32 to index
      %swap3A_354 = tpu.vector_load %arg8[%swap3A_353] {strides = array<i32>} : memref<4096xf32, #tpu.memory_space<vmem>>, vector<16xf32>,
      %swap3A_355 = vector.shape_cast %swap3A_354 : vector<16xf32> to vector<16xf32>
      %swap3A_356 = vector.shape_cast %mul3A_352 : vector<16xf32> to vector<16xf32>
      tpu.vector_store %arg8[%swap3A_353], %swap3A_356 {strides = array<i32>} : memref<4096xf32, #tpu.memory_space<vmem>>, vector<16xf32>,
      %mul3A_357 = arith.mulf %add3A_345, %broadcast_in_dim3A_3 : vector<16xf32>
      %add3A_358 = arith.constant 16 : i32
      %add3A_359 = arith.addi %mul3A_351, %add3A_358 : i32
      %swap3A_360 = arith.index_cast %add3A_359 : i32 to index
      %swap3A_361 = tpu.vector_load %arg8[%swap3A_360] {strides = array<i32>} : memref<4096xf32, #tpu.memory_space<vmem>>, vector<16xf32>,
      %swap3A_362 = vector.shape_cast %swap3A_361 : vector<16xf32> to vector<16xf32>
      %swap3A_363 = vector.shape_cast %mul3A_357 : vector<16xf32> to vector<16xf32>
      tpu.vector_store %arg8[%swap3A_360], %swap3A_363 {strides = array<i32>} : memref<4096xf32, #tpu.memory_space<vmem>>, vector<16xf32>,
      %broadcast_in_dim3A_364 = arith.constant 0.000000e+00 : f32
      %broadcast_in_dim3A_365 = vector.broadcast %broadcast_in_dim3A_364 : f32 to vector<16xf32>
      %broadcast_in_dim3A_366 = arith.constant 0.000000e+00 : f32
      %broadcast_in_dim3A_367 = vector.broadcast %broadcast_in_dim3A_366 : f32 to vector<16xf32>
      %broadcast_in_dim3A_368 = arith.constant 0.000000e+00 : f32
      %broadcast_in_dim3A_369 = vector.broadcast %broadcast_in_dim3A_368 : f32 to vector<16xf32>
      %broadcast_in_dim3A_370 = arith.constant 0.000000e+00 : f32
      %broadcast_in_dim3A_371 = vector.broadcast %broadcast_in_dim3A_370 : f32 to vector<16xf32>
      %broadcast_in_dim3A_372 = arith.constant 0.000000e+00 : f32
      %broadcast_in_dim3A_373 = vector.broadcast %broadcast_in_dim3A_372 : f32 to vector<16xf32>
      %broadcast_in_dim3A_374 = arith.constant 0.000000e+00 : f32
      %broadcast_in_dim3A_375 = vector.broadcast %broadcast_in_dim3A_374 : f32 to vector<16xf32>
      %broadcast_in_dim3A_376 = arith.constant 0.000000e+00 : f32
      %broadcast_in_dim3A_377 = vector.broadcast %broadcast_in_dim3A_376 : f32 to vector<16xf32>
      %broadcast_in_dim3A_378 = arith.constant 0.000000e+00 : f32
      %broadcast_in_dim3A_379 = vector.broadcast %broadcast_in_dim3A_378 : f32 to vector<16xf32>
      %scan3A_380 = arith.constant 0 : i32
      %scan3A_381 = arith.constant 50 : i32
      %scan3A_382 = arith.addi %scan3A_380, %scan3A_381 : i32
      %scan3A_383 = arith.constant 1 : i32
      %scan3A_384:8 = scf.for %scan3A_410 = %scan3A_380 to %scan3A_382 step %scan3A_383 iter_args(%scan3A_411 = %broadcast_in_dim3A_365, %scan3A_412 = %broadcast_in_dim3A_367, %scan3A_413 = %broadcast_in_dim3A_369, %scan3A_414 = %broadcast_in_dim3A_371, %scan3A_415 = %broadcast_in_dim3A_373, %scan3A_416 = %broadcast_in_dim3A_375, %scan3A_417 = %broadcast_in_dim3A_377, %scan3A_418 = %broadcast_in_dim3A_379) -> (vector<16xf32>, vector<16xf32>, vector<16xf32>, vector<16xf32>, vector<16xf32>, vector<16xf32>, vector<16xf32>, vector<16xf32>)  : i32 {
        %mul3A_419 = arith.constant 4 : i32
        %mul3A_420 = arith.muli %scan3A_410, %mul3A_419 : i32
        %add3A_421 = arith.constant 600 : i32
        %add3A_422 = arith.addi %add3A_421, %mul3A_420 : i32
        %add3A_423 = arith.constant 0 : i32
        %add3A_424 = arith.addi %add3A_422, %add3A_423 : i32
        %get3A = arith.index_cast %add3A_424 : i32 to index
        %get3A_425 = arith.constant 0 : index
        %get3A_426 = tpu.vector_load %arg7[%get3A, %get3A_425] {strides = array<i32>} : memref<800x32xf32, #tpu.memory_space<vmem>>, vector<1x16xf32>,
        %get3A_427 = vector.shape_cast %get3A_426 : vector<1x16xf32> to vector<16xf32>
        %add3A_428 = arith.addf %scan3A_411, %get3A_427 : vector<16xf32>
        %add3A_429 = arith.constant 0 : i32
        %add3A_430 = arith.addi %add3A_422, %add3A_429 : i32
        %get3A_431 = arith.index_cast %add3A_430 : i32 to index
        %get3A_432 = arith.constant 16 : index
        %get3A_433 = tpu.vector_load %arg7[%get3A_431, %get3A_432] {strides = array<i32>} : memref<800x32xf32, #tpu.memory_space<vmem>>, vector<1x16xf32>,
        %get3A_434 = vector.shape_cast %get3A_433 : vector<1x16xf32> to vector<16xf32>
        %add3A_435 = arith.addf %scan3A_412, %get3A_434 : vector<16xf32>
        %add3A_436 = arith.constant 1 : i32
        %add3A_437 = arith.addi %add3A_422, %add3A_436 : i32
        %get3A_438 = arith.index_cast %add3A_437 : i32 to index
        %get3A_439 = arith.constant 0 : index
        %get3A_440 = tpu.vector_load %arg7[%get3A_438, %get3A_439] {strides = array<i32>} : memref<800x32xf32, #tpu.memory_space<vmem>>, vector<1x16xf32>,
        %get3A_441 = vector.shape_cast %get3A_440 : vector<1x16xf32> to vector<16xf32>
        %add3A_442 = arith.addf %scan3A_413, %get3A_441 : vector<16xf32>
        %add3A_443 = arith.constant 1 : i32
        %add3A_444 = arith.addi %add3A_422, %add3A_443 : i32
        %get3A_445 = arith.index_cast %add3A_444 : i32 to index
        %get3A_446 = arith.constant 16 : index
        %get3A_447 = tpu.vector_load %arg7[%get3A_445, %get3A_446] {strides = array<i32>} : memref<800x32xf32, #tpu.memory_space<vmem>>, vector<1x16xf32>,
        %get3A_448 = vector.shape_cast %get3A_447 : vector<1x16xf32> to vector<16xf32>
        %add3A_449 = arith.addf %scan3A_414, %get3A_448 : vector<16xf32>
        %add3A_450 = arith.constant 2 : i32
        %add3A_451 = arith.addi %add3A_422, %add3A_450 : i32
        %get3A_452 = arith.index_cast %add3A_451 : i32 to index
        %get3A_453 = arith.constant 0 : index
        %get3A_454 = tpu.vector_load %arg7[%get3A_452, %get3A_453] {strides = array<i32>} : memref<800x32xf32, #tpu.memory_space<vmem>>, vector<1x16xf32>,
        %get3A_455 = vector.shape_cast %get3A_454 : vector<1x16xf32> to vector<16xf32>
        %add3A_456 = arith.addf %scan3A_415, %get3A_455 : vector<16xf32>
        %add3A_457 = arith.constant 2 : i32
        %add3A_458 = arith.addi %add3A_422, %add3A_457 : i32
        %get3A_459 = arith.index_cast %add3A_458 : i32 to index
        %get3A_460 = arith.constant 16 : index
        %get3A_461 = tpu.vector_load %arg7[%get3A_459, %get3A_460] {strides = array<i32>} : memref<800x32xf32, #tpu.memory_space<vmem>>, vector<1x16xf32>,
        %get3A_462 = vector.shape_cast %get3A_461 : vector<1x16xf32> to vector<16xf32>
        %add3A_463 = arith.addf %scan3A_416, %get3A_462 : vector<16xf32>
        %add3A_464 = arith.constant 3 : i32
        %add3A_465 = arith.addi %add3A_422, %add3A_464 : i32
        %get3A_466 = arith.index_cast %add3A_465 : i32 to index
        %get3A_467 = arith.constant 0 : index
        %get3A_468 = tpu.vector_load %arg7[%get3A_466, %get3A_467] {strides = array<i32>} : memref<800x32xf32, #tpu.memory_space<vmem>>, vector<1x16xf32>,
        %get3A_469 = vector.shape_cast %get3A_468 : vector<1x16xf32> to vector<16xf32>
        %add3A_470 = arith.addf %scan3A_417, %get3A_469 : vector<16xf32>
        %add3A_471 = arith.constant 3 : i32
        %add3A_472 = arith.addi %add3A_422, %add3A_471 : i32
        %get3A_473 = arith.index_cast %add3A_472 : i32 to index
        %get3A_474 = arith.constant 16 : index
        %get3A_475 = tpu.vector_load %arg7[%get3A_473, %get3A_474] {strides = array<i32>} : memref<800x32xf32, #tpu.memory_space<vmem>>, vector<1x16xf32>,
        %get3A_476 = vector.shape_cast %get3A_475 : vector<1x16xf32> to vector<16xf32>
        %add3A_477 = arith.addf %scan3A_418, %get3A_476 : vector<16xf32>
        scf.yield %add3A_428, %add3A_435, %add3A_442, %add3A_449, %add3A_456, %add3A_463, %add3A_470, %add3A_477 : vector<16xf32>, vector<16xf32>, vector<16xf32>, vector<16xf32>, vector<16xf32>, vector<16xf32>, vector<16xf32>, vector<16xf32>
      }
      %scan3A_385 = arith.constant 50 : i32
      %add3A_386 = arith.addf %scan3A_384#0, %scan3A_384#2 : vector<16xf32>
      %add3A_387 = arith.addf %scan3A_384#4, %scan3A_384#6 : vector<16xf32>
      %add3A_388 = arith.addf %add3A_386, %add3A_387 : vector<16xf32>
      %add3A_389 = arith.addf %scan3A_384#1, %scan3A_384#3 : vector<16xf32>
      %add3A_390 = arith.addf %scan3A_384#5, %scan3A_384#7 : vector<16xf32>
      %add3A_391 = arith.addf %add3A_389, %add3A_390 : vector<16xf32>
      %mul3A_392 = arith.constant 4 : i32
      %mul3A_393 = arith.muli %add3A_225, %mul3A_392 : i32
      %add3A_394 = arith.constant 3 : i32
      %add3A_395 = arith.addi %mul3A_393, %add3A_394 : i32
      %mul3A_396 = arith.constant 32 : i32
      %mul3A_397 = arith.muli %add3A_395, %mul3A_396 : i32
      %mul3A_398 = arith.mulf %add3A_388, %broadcast_in_dim3A_3 : vector<16xf32>
      %swap3A_399 = arith.index_cast %mul3A_397 : i32 to index
      %swap3A_400 = tpu.vector_load %arg8[%swap3A_399] {strides = array<i32>} : memref<4096xf32, #tpu.memory_space<vmem>>, vector<16xf32>,
      %swap3A_401 = vector.shape_cast %swap3A_400 : vector<16xf32> to vector<16xf32>
      %swap3A_402 = vector.shape_cast %mul3A_398 : vector<16xf32> to vector<16xf32>
      tpu.vector_store %arg8[%swap3A_399], %swap3A_402 {strides = array<i32>} : memref<4096xf32, #tpu.memory_space<vmem>>, vector<16xf32>,
      %mul3A_403 = arith.mulf %add3A_391, %broadcast_in_dim3A_3 : vector<16xf32>
      %add3A_404 = arith.constant 16 : i32
      %add3A_405 = arith.addi %mul3A_397, %add3A_404 : i32
      %swap3A_406 = arith.index_cast %add3A_405 : i32 to index
      %swap3A_407 = tpu.vector_load %arg8[%swap3A_406] {strides = array<i32>} : memref<4096xf32, #tpu.memory_space<vmem>>, vector<16xf32>,
      %swap3A_408 = vector.shape_cast %swap3A_407 : vector<16xf32> to vector<16xf32>
      %swap3A_409 = vector.shape_cast %mul3A_403 : vector<16xf32> to vector<16xf32>
      tpu.vector_store %arg8[%swap3A_406], %swap3A_409 {strides = array<i32>} : memref<4096xf32, #tpu.memory_space<vmem>>, vector<16xf32>,
    }
    %scan3A_14 = arith.constant 16 : i32
    "tpu.region"() ({
      %run_scoped3A = tpu.sem_alloc : memref<!tpu.dma_semaphore, #tpu.memory_space<semaphore_mem>>
      %dma_start3A_15 = arith.constant 0 : i32
      %dma_start3A_16 = tpu.memref_slice %arg4[%add3A, %dma_start3A_15] : memref<32x4096xf32, #tpu.memory_space<hbm>> -> memref<1x4096xf32, #tpu.memory_space<hbm>>
      %dma_start3A_17 = tpu.memref_squeeze %dma_start3A_16 : memref<1x4096xf32, #tpu.memory_space<hbm>> -> memref<4096xf32, #tpu.memory_space<hbm>>
      %dma_start3A_18 = arith.constant 0 : i32
      %dma_start3A_19 = tpu.memref_slice %arg4[%add3A, %dma_start3A_18] : memref<32x4096xf32, #tpu.memory_space<hbm>> -> memref<1x4096xf32, #tpu.memory_space<hbm>>
      %dma_start3A_20 = tpu.memref_squeeze %dma_start3A_19 : memref<1x4096xf32, #tpu.memory_space<hbm>> -> memref<4096xf32, #tpu.memory_space<hbm>>
      tpu.enqueue_dma source(%arg8 : memref<4096xf32, #tpu.memory_space<vmem>>) target(%dma_start3A_20 : memref<4096xf32, #tpu.memory_space<hbm>>) target_semaphore(%run_scoped3A : memref<!tpu.dma_semaphore, #tpu.memory_space<semaphore_mem>>)
      %dma_wait3A = arith.constant 0 : i32
      %dma_wait3A_21 = tpu.memref_slice %arg4[%add3A, %dma_wait3A] : memref<32x4096xf32, #tpu.memory_space<hbm>> -> memref<1x4096xf32, #tpu.memory_space<hbm>>
      %dma_wait3A_22 = tpu.memref_squeeze %dma_wait3A_21 : memref<1x4096xf32, #tpu.memory_space<hbm>> -> memref<4096xf32, #tpu.memory_space<hbm>>
      %dma_wait3A_23 = arith.constant 0 : i32
      %dma_wait3A_24 = tpu.memref_slice %arg4[%add3A, %dma_wait3A_23] : memref<32x4096xf32, #tpu.memory_space<hbm>> -> memref<1x4096xf32, #tpu.memory_space<hbm>>
      %dma_wait3A_25 = tpu.memref_squeeze %dma_wait3A_24 : memref<1x4096xf32, #tpu.memory_space<hbm>> -> memref<4096xf32, #tpu.memory_space<hbm>>
      tpu.wait_dma2 semaphore(%run_scoped3A : memref<!tpu.dma_semaphore, #tpu.memory_space<semaphore_mem>>) src(%arg8 : memref<4096xf32, #tpu.memory_space<vmem>>) dst(%dma_wait3A_25 : memref<4096xf32, #tpu.memory_space<hbm>>)
      tpu.yield
    }) : () -> ()
    return
  }
}

</mosaic_0001>

<sc_bundles>
// kernel: kernel.3.cloned.1.call-start
scs
__scs_entry_jumppad:
0x0: {  	(pc) =	sbr.rel $0x88, $3  }
0x1: {  	(tag) =	ssettag $0x0;
	lr =	simm.s32 $0x1  }
0x2: {  	[smem:$0x3F9F] =	sst lr;
	_ =	strace $0xD0000000  }
0x3: {  	_ = 	snop  }
0x4: {  	_ = 	snop  }
0x5: {  	_ = 	snop  }
0x6: {  	_ = 	snop  }
0x7: {  	_ = 	snop  }
__scs_overlays_trampoline_lowered:
0x8: {  	[smem:$0x3FAE] =	sst s0  }
0x9: {  	[smem:$0x3FAF] =	sst s1  }
0xa: {  	[smem:$0x3FB0] =	sst s2  }
0xb: {  	[smem:$0x3FB1] =	sst s3  }
0xc: {  	[smem:$0x3FB2] =	sst s4  }
0xd: {  	[smem:$0x3FB3] =	sst s5  }
0xe: {  	[smem:$0x3FB4] =	sst s6  }
0xf: {  	[smem:$0x3FB5] =	sst s7  }
0x10: {  	[smem:$0x3FB6] =	sst s8  }
0x11: {  	[smem:$0x3FB7] =	sst s9;
	s0 =	simm.s32 @!p0 $0x0  }
0x12: {  	s1 =	sld [smem:$0x3F9D];
	s0 =	simm.s32 @p0 $0x1  }
0x13: {  	[smem:$0x3FB8] =	sst s0;
	s0 =	simm.s32 @!p1 $0x0  }
0x14: {  	s2 =	sld [smem:$0x3F9C];
	s0 =	simm.s32 @p1 $0x1  }
0x15: {  	[smem:$0x3FB9] =	sst s0;
	s0 =	simm.s32 @!p2 $0x0  }
0x16: {  	s3 =	sld [smem:$0x3FDB];
	s0 =	simm.s32 @p2 $0x1  }
0x17: {  	s4 =	simm.s32 $0x1BF5;
	[smem:$0x3FBB] =	sst s0  }
0x18: {  	s0 =	sld [smem:$0x3F9E];
	_ =	swait.ge [sflag:s4], $0x0  }
0x19: {  	s7 =	sld [smem:$0x3F9F]  }
0x1a: {  	s8 =	sadd.s32 $0xFFFFE003, lr  }
0x1b: {  	s9 =	sadd.s32 $0xFFFFFEF7, lr;
	s5 =	simm.s32 $0xFFFFFFFF;
	p2 =	slt.u32 s8, $0xFFFFF086  }
0x1c: {  	p1 =	slt.u32 s9, $0xF7A;
	s5 =	simm.s32 @!p2 $0x0  }
0x1d: {  	s5 =	simm.s32 @p1 $0x1;
	p0 =	seq.s32 s7, s2  }
0x1e: {  	s7 =	smul.u32 @!p0 $0xF7A, s2;
	p2 =	seq.s32 @!p0 s5, $0x0  }
0x1f: {  	s9 =	smul.u32 $0xF7A, s1;
	s8 =	simm.s32 @!p0 $0x1BF5;
	p2 =	por !p2, p0  }
0x20: {  	[sflag:s8] =	ssyncset.s32 @!p0 $0xFFFFF086;
	s6 =	sadd.s32 @!p0 s3, s7;
	s7 =	simm.s32 @!p0 $0x108  }
0x21: {  	s3 =	sadd.s32 s3, s9;
	s6 =	sadd.s32 @!p0 $0x88, s6;
	s7 =	simm.s32 @p2 $0x1082  }
0x22: {  	[simem:s7], [sflag:s8] =	dma.local @!p0 [hbm:s6], $0xF7A  }
0x23: {  	s9 =	sor.u32 $0xD0000000, s2;
	s6 =	simm.s32 $0x108;
	_ =	swait.ge @!p0 [sflag:s8], $0x0  }
0x24: {  	s3 =	sadd.s32 $0x88, s3;
	s6 =	simm.s32 @!p1 $0x1082;
	[sflag:s4] =	ssyncset.s32 $0xFFFFF086  }
0x25: {  	[simem:s6], [sflag:s4] =	dma.local [hbm:s3], $0xF7A  }
0x26: {  	[smem:$0x3F9F] =	sst s1;
	(tag) =	ssettag s2;
	_ =	strace s9  }
0x27: {  	s1 =	sld [smem:$0x3FAF]  }
0x28: {  	s2 =	sld [smem:$0x3FB0]  }
0x29: {  	s4 =	sld [smem:$0x3FB2]  }
0x2a: {  	p0 =	seq.s32 s5, $0x0;
	s5 =	sld [smem:$0x3FB3]  }
0x2b: {  	s6 =	sld [smem:$0x3FB4]  }
0x2c: {  	s7 =	sld [smem:$0x3FB5]  }
0x2d: {  	s3 =	simm.s32 $0x108;
	s8 =	sld [smem:$0x3FB6]  }
0x2e: {  	s3 =	simm.s32 @!p0 $0x1082;
	s9 =	sld [smem:$0x3FB7]  }
0x2f: {  	lr =	sadd.s32 s0, s3;
	s0 =	sld [smem:$0x3FAE]  }
0x30: {  	s3 =	sld [smem:$0x3FB1]  }
0x31: {  	[smem:$0x3FBA] =	sst s10  }
0x32: {  	s10 =	sld [smem:$0x3FB8];
	_ =	sdelay $0x3  }
0x33: {  	p0 =	seq.s32 s10, $0x1;
	s10 =	sld [smem:$0x3FBA];
	_ =	sdelay $0x3  }
0x34: {  	[smem:$0x3FBA] =	sst s10  }
0x35: {  	s10 =	sld [smem:$0x3FB9];
	_ =	sdelay $0x3  }
0x36: {  	p1 =	seq.s32 s10, $0x1;
	s10 =	sld [smem:$0x3FBA];
	_ =	sdelay $0x3  }
0x37: {  	[smem:$0x3FBA] =	sst s10  }
0x38: {  	s10 =	sld [smem:$0x3FBB]  }
0x39: {  	_ = 	snop;
	(pc) =	sbr.ind lr, $3  }
0x3a: {  	_ = 	snop  }
0x3b: {  	_ = 	snop  }
0x3c: {  	p2 =	seq.s32 s10, $0x1;
	s10 =	sld [smem:$0x3FBA]  }
0x3d: {  	_ =	shalt  }
0x3e: {  	_ =	shalt  }
0x3f: {  	_ =	shalt  }
0x40: {  	_ =	shalt  }
0x41: {  	_ =	shalt  }
0x42: {  	_ =	shalt  }
0x43: {  	_ =	shalt  }
0x44: {  	_ =	shalt  }
0x45: {  	_ =	shalt  }
0x46: {  	_ =	shalt  }
0x47: {  	_ =	shalt  }
0x48: {  	_ =	shalt  }
0x49: {  	_ =	shalt  }
0x4a: {  	_ =	shalt  }
0x4b: {  	_ =	shalt  }
0x4c: {  	_ =	shalt  }
0x4d: {  	_ =	shalt  }
0x4e: {  	_ =	shalt  }
0x4f: {  	_ =	shalt  }
0x50: {  	_ =	shalt  }
0x51: {  	_ =	shalt  }
0x52: {  	_ =	shalt  }
0x53: {  	_ =	shalt  }
0x54: {  	_ =	shalt  }
0x55: {  	_ =	shalt  }
0x56: {  	_ =	shalt  }
0x57: {  	_ =	shalt  }
0x58: {  	_ =	shalt  }
0x59: {  	_ =	shalt  }
0x5a: {  	_ =	shalt  }
0x5b: {  	_ =	shalt  }
0x5c: {  	_ =	shalt  }
0x5d: {  	_ =	shalt  }
0x5e: {  	_ =	shalt  }
0x5f: {  	_ =	shalt  }
0x60: {  	_ =	shalt  }
0x61: {  	_ =	shalt  }
0x62: {  	_ =	shalt  }
0x63: {  	_ =	shalt  }
0x64: {  	_ =	shalt  }
0x65: {  	_ =	shalt  }
0x66: {  	_ =	shalt  }
0x67: {  	_ =	shalt  }
0x68: {  	_ =	shalt  }
0x69: {  	_ =	shalt  }
0x6a: {  	_ =	shalt  }
0x6b: {  	_ =	shalt  }
0x6c: {  	_ =	shalt  }
0x6d: {  	_ =	shalt  }
0x6e: {  	_ =	shalt  }
0x6f: {  	_ =	shalt  }
0x70: {  	_ =	shalt  }
0x71: {  	_ =	shalt  }
0x72: {  	_ =	shalt  }
0x73: {  	_ =	shalt  }
0x74: {  	_ =	shalt  }
0x75: {  	_ =	shalt  }
0x76: {  	_ =	shalt  }
0x77: {  	_ =	shalt  }
0x78: {  	_ =	shalt  }
0x79: {  	_ =	shalt  }
0x7a: {  	_ =	shalt  }
0x7b: {  	_ =	shalt  }
0x7c: {  	_ =	shalt  }
0x7d: {  	_ =	shalt  }
0x7e: {  	_ =	shalt  }
0x7f: {  	_ =	shalt  }
0x80: {  	_ =	shalt  }
0x81: {  	_ =	shalt  }
0x82: {  	_ =	shalt  }
0x83: {  	_ =	shalt  }
0x84: {  	_ =	shalt  }
0x85: {  	_ =	shalt  }
0x86: {  	_ =	shalt  }
0x87: {  	_ =	shalt  }
.Lfunc_end0:
.L_simem_size_0:
called_computation_lowered:
.L_overlay_start_0:
0x88: {  	s2 =	sld [smem:$0x3FD9]  }
0x89: {  	s3 =	sld [smem:$0x3FFE];
	_ =	sdelay $0x1  }
0x8a: {  	s1 =	srdreg.scid  }
0x8b: {  	s0 =	sand.u32 $0x1, s1  }
0x8c: {  	s17 =	sshll.u32 s0, $0xA;
	s2 =	sadd.s32 s3, s2  }
0x8d: {  	s2 =	sadd.s32 s2, s17  }
0x8e: {  	[smem:$0x3FC6] =	sst s2  }
0x8f: {  	_ = 	snop  }
0x90: {  	s2 =	sld [smem:$0x3FD0];
	(tm) =	ssettm $0x1  }
0x91: {  	s18 =	sld [smem:$0x3FFB];
	_ =	sdelay $0x3  }
0x92: {  	_ =	strace s18  }
0x93: {  	s3 =	sld [smem:$0x3FFC];
	_ =	sdelay $0x3  }
0x94: {  	_ =	strace s3  }
0x95: {  	s3 =	sld [smem:$0x3FFD];
	_ =	sdelay $0x3  }
0x96: {  	_ =	strace s3  }
0x97: {  	_ =	strace $0x8FFFFFFF  }
0x98: {  	s19 =	sld [smem:$0x3FDB];
	_ =	sdelay $0x1  }
0x99: {  	s4 =	simm.s32 $_scs_section_size  }
0x9a: {  	s5 =	simm.s32 $_size__tile_overlayer_lowered;
	s6 =	simm.s32 $_tile_overlayer_lowered  }
0x9b: {  	s22 =	simm.s32 $0x1BFF;
	s21 =	sshll.u32 s6, $0x1;
	s3 =	sadd.s32 s4, s19  }
0x9c: {  	s7 =	simm.s32 $0x0;
	s20 =	sshll.u32 s5, $0x1;
	s5 =	sadd.s32 s21, s3  }
0x9d: {  	[timem:s7], [sflag:s22] =	dma.local [hbm:s5], s20  }
0x9e: {  	_ =	swait.ge [sflag:s22], s20  }
0x9f: {  	s4 =	ssub.s32 $0x0, s20;
	[sflag:s22] =	ssyncset.done $0x0  }
0xa0: {  	[sflag:s22] =	ssyncadd.s32 s4;
	_ =	sdelay $0x1  }
0xa1: {  	s23 =	simm.s32 $0x1B8B  }
0xa2: {  	_ =	swait.ge [sflag:s23], $0x1  }
0xa3: {  	[sflag:s23] =	ssyncset.done $0x0  }
0xa4: {  	s25 =	simm.s32 $0x1B8E;
	s24 =	sld [smem:$0x3FFE];
	[sflag:s23] =	ssyncadd.s32 $0xFFFFFFFF  }
0xa5: {  	s26 =	simm.s32 $execute0_lowered;
	[smem:$0x3FD2] =	sst s25  }
0xa6: {  	s5 =	sshll.u32 s26, $0x1;
	_ =	strace $0x80000046;
	[dreg:$0x1] =	wrdreg $0xFFFFFFFF  }
0xa7: {  	s28 =	simm.s32 $_size_execute0_lowered;
	s3 =	sadd.s32 s3, s5;
	[dreg:$0x0] =	wrdreg $0x0  }
0xa8: {  	s5 =	sshll.u32 s28, $0x1;
	[dreg:$0x2] =	wrdreg s3  }
0xa9: {  	[dreg:$0x3] =	wrdreg s5  }
0xaa: {  	[dreg:$0x4] =	wrdreg $0xC0  }
0xab: {  	_ =	task [dreg:s7], $0x5FFFF  }
0xac: {  	[dreg:$0x1] =	wrdreg $0xFFFFFFFF  }
0xad: {  	[dreg:$0x0] =	wrdreg $0x60  }
0xae: {  	[dreg:$0x2] =	wrdreg s24  }
0xaf: {  	[dreg:$0x3] =	wrdreg s2  }
0xb0: {  	[dreg:$0x4] =	wrdreg $0x9  }
0xb1: {  	_ =	task.clear_ibuf [dreg:s7], $0x5FFFF;
	_ =	strace $0x90000046  }
0xb2: {  	s29 =	simm.s32 $0x9;
	_ =	strace $0x80000048  }
0xb3: {  	_ =	swait.ge [sflag:s29], $0x1  }
0xb4: {  	[sflag:s29] =	ssyncadd.s32 $0xFFFFFFFF  }
0xb5: {  	_ =	strace $0x90000048  }
0xb6: {  	_ =	sfence  }
0xb7: {  	s30 =	sld [smem:$0x0];
	_ =	sdelay $0x2  }
0xb8: {  	s31 =	sshll.u32 s1, $0xD;
	s1 =	sshrl.u32 s1, $0x2  }
0xb9: {  	s3 =	sand.u32 $0x4000, s31;
	s1 =	sadd.s32 s1, s30  }
0xba: {  	s0 =	sor.u32 s3, s0;
	s1 =	sshll.u32 s1, $0x11  }
0xbb: {  	s0 =	sor.u32 s1, s0  }
0xbc: {  	s0 =	sadd.s32 $0x8F2B, s0  }
0xbd: {  	[sflag:s0] =	ssyncadd.remote.s32 $0x1  }
0xbe: {  	_ =	sfence.sel $0xFFFF  }
0xbf: {  	[dreg:$0x0] =	wrdreg $0xFFFFFFFF;
	(pc) =	sbr.abs _section_cstart, $3  }
0xc0: {  	[dreg:$0x1] =	wrdreg $0xFFFFFFFF  }
0xc1: {  	_ =	task.clear_ibuf [dreg:s7], $0x2FFFF;
	_ =	strace $0x9FFFFFFF  }
0xc2: {  	(tm) =	ssettm $0x7FFFFFFF  }
0xc3: {  	_ =	shalt  }
tec
execute0_lowered:
.L_overlay_start_1:
0x0: {  	(tag) =	ssettag $0x1  }
0x1: {  	s0 =	srdreg.scid;
	s4 =	rddreg [dreg:$0x0]  }
0x2: {  	s5 =	rddreg [dreg:$0x1];
	s2 =	simm.s32 $0x0;
	s9 =	simm.s32 $0x6400  }
0x3: {  	s10 =	simm.s32 $0x1;
	s11 =	simm.s32 $0xC800;
	s12 =	simm.s32 $0x2  }
0x4: {  	s13 =	simm.s32 $0x12C00;
	s14 =	simm.s32 $0x0;
	s3 =	sand.u32 $0x1, s0  }
0x5: {  	s0 =	stileid.u32;
	[smem:$0x7FF] =	sst s2;
	s1 =	sshll.u32 s3, $0x4  }
0x6: {  	s8 =	ssub.s32 $0x2, s3;
	s3 =	sadd.s32 $0xF42A00, s4;
	s6 =	sor.u32 s0, s1  }
0x7: {  	s1 =	rddreg [dreg:$0x2];
	s31 =	sshrl.u32 s8, $0x1;
	s7 =	smul.u32 $0xC80, s6  }
0x8: {  	_ =	strace $0x80000047;
	s6 =	sshll.u32 s6, $0x9;
	s8 =	ssub.s32 s8, s31  }
0x9: {  	s5 =	sadd.s32 s5, s6;
	s6 =	smax.u32 s8, $0x1;
	s7 =	sadd.s32 s7, s4  }
0xa: {  	s8 =	simm.s32 $0x320;
	s4 =	sadd.s32 $0x600, s7;
	s7 =	simm.s32 $0x3  }
.LBB2_1:
0xb: {  	[tilespmem:s2], [sflag:$0x3] =	stream.linear.gather [hbm4b:s4+s2], $0x6400, $0x38;
	[tilespmem:$0x13C00] =	vst v63  }
0xc: {  	_ =	swait.ge [sflag:s7], $0x6400  }
0xd: {  	[sflag:s7] =	ssyncset.done $0x0  }
0xe: {  	s15 =	simm.s32 $0x0;
	[sflag:s7] =	ssyncadd.s32 $0xFFFF9C00  }
0xf: {  	[tilespmem:s9], [sflag:$0x1] =	stream.indirect.gather [hbm4b:s3+s8], $0x20, s2, s8, $0xb8;
	[tilespmem:$0x13C00] =	vst v63  }
.LBB2_2:
0x10: {  	s16 =	sshllo.u32 s15, $0x1  }
0x11: {  	_ =	swait.ge [sflag:s10], $0x6400;
	s17 =	smul.u32 $0xC80, s16  }
0x12: {  	[sflag:s10] =	ssyncset.done $0x0  }
0x13: {  	s19 =	simm.s32 $0x0;
	[sflag:s10] =	ssyncadd.s32 $0xFFFF9C00;
	s17 =	sshra.s32 s17, $0x2  }
0x14: {  	[tilespmem:s11], [sflag:$0x2] =	stream.indirect.gather [hbm4b:s3+s8], $0x20, s17, s8, $0xb8;
	[tilespmem:$0x13C00] =	vst v63  }
0x15: {  	v0 =	vld [tilespmem:s19+$0x6470]  }
0x16: {  	v1 =	vld [tilespmem:s19+$0x6400]  }
0x17: {  	v2 =	vld [tilespmem:s19+$0x6410]  }
0x18: {  	v5 =	vld [tilespmem:s19+$0x6420]  }
0x19: {  	v6 =	vld [tilespmem:s19+$0x6430]  }
0x1a: {  	v3 =	vimm.f32 $0.0e+00;
	v4 =	vimm.f32 $0.0e+00;
	v7 =	vld [tilespmem:s19+$0x6440]  }
0x1b: {  	v10 =	vimm.f32 $0.0e+00;
	v8 =	vimm.f32 $0.0e+00;
	v11 =	vld [tilespmem:s19+$0x6450];
	v0 =	vadd.f32 v0, v3  }
0x1c: {  	s18 =	simm.s32 $0x400;
	v9 =	vimm.f32 $0.0e+00;
	s17 =	simm.s32 $0x80;
	v12 =	vld [tilespmem:s19+$0x6460];
	v1 =	vadd.f32 v1, v3;
	v2 =	vadd.f32 v2, v3  }
.LBB2_3:
0x1d: {  	p0 =	sne.s32 s18, $0x6200;
	v13 =	vld [tilespmem:s17+$0x6470];
	v3 =	vadd.f32 v5, v3  }
0x1e: {  	v14 =	vld [tilespmem:s17+$0x6400];
	v4 =	vadd.f32 v6, v4  }
0x1f: {  	v15 =	vld [tilespmem:s17+$0x6410];
	v10 =	vadd.f32 v7, v10  }
.Ltmp0:
0x20: {  	v5 =	vld [tilespmem:s17+$0x6420];
	v8 =	vadd.f32 v11, v8;
	(pc) =	sbr.rel @p0 .LBB2_3-.Ltmp0, $4  }
0x21: {  	v6 =	vld [tilespmem:s17+$0x6430];
	v9 =	vadd.f32 v12, v9  }
0x22: {  	v7 =	vld [tilespmem:s17+$0x6440];
	v0 =	vadd.f32 v13, v0  }
0x23: {  	v1 =	vadd.f32 v14, v1;
	v11 =	vld [tilespmem:s17+$0x6450]  }
0x24: {  	v2 =	vadd.f32 v15, v2;
	v12 =	vld [tilespmem:s17+$0x6460];
	s17 =	sshra.s32 s18, $0x2;
	s18 =	sadd.s32 $0x200, s18  }
0x25: {  	v13 =	vld [tilespmem:s17+$0x6470]  }
0x26: {  	v14 =	vld [tilespmem:s17+$0x6400]  }
0x27: {  	v15 =	vld [tilespmem:s17+$0x6410]  }
0x28: {  	v16 =	vld [tilespmem:s17+$0x6420]  }
0x29: {  	v17 =	vld [tilespmem:s17+$0x6430]  }
0x2a: {  	v18 =	vld [tilespmem:s17+$0x6440]  }
0x2b: {  	v3 =	vadd.f32 v5, v3;
	v5 =	vld [tilespmem:s17+$0x6460]  }
0x2c: {  	v4 =	vadd.f32 v6, v4;
	v6 =	vadd.f32 v7, v10;
	v7 =	vld [tilespmem:s17+$0x6450]  }
0x2d: {  	v8 =	vadd.f32 v11, v8;
	v9 =	vadd.f32 v12, v9  }
0x2e: {  	v0 =	vadd.f32 v13, v0;
	v1 =	vadd.f32 v14, v1  }
0x2f: {  	v2 =	vadd.f32 v15, v2;
	v3 =	vadd.f32 v16, v3  }
0x30: {  	v6 =	vadd.f32 v18, v6;
	v5 =	vadd.f32 v5, v9  }
0x31: {  	v4 =	vadd.f32 v17, v4;
	v7 =	vadd.f32 v7, v8  }
0x32: {  	v1 =	vadd.f32 v3, v1;
	v3 =	vadd.f32 v5, v6  }
0x33: {  	v2 =	vadd.f32 v4, v2;
	v0 =	vadd.f32 v0, v7  }
0x34: {  	v1 =	vadd.f32 v3, v1  }
0x35: {  	v0 =	vadd.f32 v0, v2  }
0x36: {  	s31 =	sshll.u32 s15, $0x8;
	v1 =	vmul.f32 $4.999999890e-03, v1  }
0x37: {  	s17 =	sand.u32 $0x3FFFFF00, s31;
	v0 =	vmul.f32 $4.999999890e-03, v0  }
0x38: {  	[tilespmem:s17+$0x12C00] =	vst v1  }
0x39: {  	s20 =	simm.s32 $0x0;
	[tilespmem:s17+$0x12C10] =	vst v0  }
0x3a: {  	v0 =	vld [tilespmem:s20+$0x7D70]  }
0x3b: {  	v1 =	vld [tilespmem:s20+$0x7D00]  }
0x3c: {  	v2 =	vld [tilespmem:s20+$0x7D10]  }
0x3d: {  	v5 =	vld [tilespmem:s20+$0x7D20]  }
0x3e: {  	v6 =	vld [tilespmem:s20+$0x7D30]  }
0x3f: {  	v10 =	vimm.f32 $0.0e+00;
	v3 =	vimm.f32 $0.0e+00;
	v7 =	vld [tilespmem:s20+$0x7D40]  }
0x40: {  	v9 =	vimm.f32 $0.0e+00;
	v4 =	vimm.f32 $0.0e+00;
	v11 =	vld [tilespmem:s20+$0x7D50];
	v0 =	vadd.f32 v0, v3  }
0x41: {  	s18 =	simm.s32 $0x80;
	s19 =	simm.s32 $0x400;
	v8 =	vimm.f32 $0.0e+00;
	v12 =	vld [tilespmem:s20+$0x7D60];
	v1 =	vadd.f32 v1, v3;
	v2 =	vadd.f32 v2, v3  }
.LBB2_5:
0x42: {  	p0 =	sne.s32 s19, $0x6200;
	v13 =	vld [tilespmem:s18+$0x7D70];
	v3 =	vadd.f32 v5, v3  }
0x43: {  	v14 =	vld [tilespmem:s18+$0x7D00];
	v4 =	vadd.f32 v6, v4  }
0x44: {  	v15 =	vld [tilespmem:s18+$0x7D10];
	v10 =	vadd.f32 v7, v10  }
.Ltmp1:
0x45: {  	v5 =	vld [tilespmem:s18+$0x7D20];
	v8 =	vadd.f32 v11, v8;
	(pc) =	sbr.rel @p0 .LBB2_5-.Ltmp1, $4  }
0x46: {  	v6 =	vld [tilespmem:s18+$0x7D30];
	v9 =	vadd.f32 v12, v9  }
0x47: {  	v7 =	vld [tilespmem:s18+$0x7D40];
	v0 =	vadd.f32 v13, v0  }
0x48: {  	v1 =	vadd.f32 v14, v1;
	v11 =	vld [tilespmem:s18+$0x7D50]  }
0x49: {  	v2 =	vadd.f32 v15, v2;
	v12 =	vld [tilespmem:s18+$0x7D60];
	s18 =	sshra.s32 s19, $0x2;
	s19 =	sadd.s32 $0x200, s19  }
0x4a: {  	v13 =	vld [tilespmem:s18+$0x7D70]  }
0x4b: {  	v14 =	vld [tilespmem:s18+$0x7D00]  }
0x4c: {  	v15 =	vld [tilespmem:s18+$0x7D10]  }
0x4d: {  	v16 =	vld [tilespmem:s18+$0x7D20]  }
0x4e: {  	v17 =	vld [tilespmem:s18+$0x7D30]  }
0x4f: {  	v18 =	vld [tilespmem:s18+$0x7D40]  }
0x50: {  	v3 =	vadd.f32 v5, v3;
	v5 =	vld [tilespmem:s18+$0x7D60]  }
0x51: {  	v4 =	vadd.f32 v6, v4;
	v6 =	vadd.f32 v7, v10;
	v7 =	vld [tilespmem:s18+$0x7D50]  }
0x52: {  	v8 =	vadd.f32 v11, v8;
	v9 =	vadd.f32 v12, v9  }
0x53: {  	v0 =	vadd.f32 v13, v0;
	v1 =	vadd.f32 v14, v1  }
0x54: {  	v2 =	vadd.f32 v15, v2;
	v3 =	vadd.f32 v16, v3  }
0x55: {  	v6 =	vadd.f32 v18, v6;
	v5 =	vadd.f32 v5, v9  }
0x56: {  	v4 =	vadd.f32 v17, v4;
	v7 =	vadd.f32 v7, v8  }
0x57: {  	v1 =	vadd.f32 v3, v1;
	v3 =	vadd.f32 v5, v6  }
0x58: {  	v2 =	vadd.f32 v4, v2;
	v0 =	vadd.f32 v0, v7  }
0x59: {  	v1 =	vadd.f32 v3, v1  }
0x5a: {  	v0 =	vadd.f32 v0, v2  }
0x5b: {  	v1 =	vmul.f32 $4.999999890e-03, v1  }
0x5c: {  	v0 =	vmul.f32 $4.999999890e-03, v0  }
0x5d: {  	[tilespmem:s17+$0x12C20] =	vst v1  }
0x5e: {  	s20 =	simm.s32 $0x0;
	[tilespmem:s17+$0x12C30] =	vst v0  }
0x5f: {  	v0 =	vld [tilespmem:s20+$0x9670]  }
0x60: {  	v1 =	vld [tilespmem:s20+$0x9600]  }
0x61: {  	v2 =	vld [tilespmem:s20+$0x9610]  }
0x62: {  	v5 =	vld [tilespmem:s20+$0x9620]  }
0x63: {  	v6 =	vld [tilespmem:s20+$0x9630]  }
0x64: {  	v10 =	vimm.f32 $0.0e+00;
	v3 =	vimm.f32 $0.0e+00;
	v7 =	vld [tilespmem:s20+$0x9640]  }
0x65: {  	v9 =	vimm.f32 $0.0e+00;
	v4 =	vimm.f32 $0.0e+00;
	v11 =	vld [tilespmem:s20+$0x9650];
	v0 =	vadd.f32 v0, v3  }
0x66: {  	s19 =	simm.s32 $0x400;
	s18 =	simm.s32 $0x80;
	v8 =	vimm.f32 $0.0e+00;
	v12 =	vld [tilespmem:s20+$0x9660];
	v1 =	vadd.f32 v1, v3;
	v2 =	vadd.f32 v2, v3  }
.LBB2_7:
0x67: {  	p0 =	sne.s32 s19, $0x6200;
	v13 =	vld [tilespmem:s18+$0x9670];
	v3 =	vadd.f32 v5, v3  }
0x68: {  	v14 =	vld [tilespmem:s18+$0x9600];
	v4 =	vadd.f32 v6, v4  }
0x69: {  	v15 =	vld [tilespmem:s18+$0x9610];
	v10 =	vadd.f32 v7, v10  }
.Ltmp2:
0x6a: {  	v5 =	vld [tilespmem:s18+$0x9620];
	v8 =	vadd.f32 v11, v8;
	(pc) =	sbr.rel @p0 .LBB2_7-.Ltmp2, $4  }
0x6b: {  	v6 =	vld [tilespmem:s18+$0x9630];
	v9 =	vadd.f32 v12, v9  }
0x6c: {  	v7 =	vld [tilespmem:s18+$0x9640];
	v0 =	vadd.f32 v13, v0  }
0x6d: {  	v1 =	vadd.f32 v14, v1;
	v11 =	vld [tilespmem:s18+$0x9650]  }
0x6e: {  	v2 =	vadd.f32 v15, v2;
	v12 =	vld [tilespmem:s18+$0x9660];
	s18 =	sshra.s32 s19, $0x2;
	s19 =	sadd.s32 $0x200, s19  }
0x6f: {  	v13 =	vld [tilespmem:s18+$0x9670]  }
0x70: {  	v14 =	vld [tilespmem:s18+$0x9600]  }
0x71: {  	v15 =	vld [tilespmem:s18+$0x9610]  }
0x72: {  	v16 =	vld [tilespmem:s18+$0x9620]  }
0x73: {  	v17 =	vld [tilespmem:s18+$0x9630]  }
0x74: {  	v18 =	vld [tilespmem:s18+$0x9640]  }
0x75: {  	v3 =	vadd.f32 v5, v3;
	v5 =	vld [tilespmem:s18+$0x9660]  }
0x76: {  	v4 =	vadd.f32 v6, v4;
	v6 =	vadd.f32 v7, v10;
	v7 =	vld [tilespmem:s18+$0x9650]  }
0x77: {  	v8 =	vadd.f32 v11, v8;
	v9 =	vadd.f32 v12, v9  }
0x78: {  	v0 =	vadd.f32 v13, v0;
	v1 =	vadd.f32 v14, v1  }
0x79: {  	v2 =	vadd.f32 v15, v2;
	v3 =	vadd.f32 v16, v3  }
0x7a: {  	v6 =	vadd.f32 v18, v6;
	v5 =	vadd.f32 v5, v9  }
0x7b: {  	v4 =	vadd.f32 v17, v4;
	v7 =	vadd.f32 v7, v8  }
0x7c: {  	v1 =	vadd.f32 v3, v1;
	v3 =	vadd.f32 v5, v6  }
0x7d: {  	v2 =	vadd.f32 v4, v2;
	v0 =	vadd.f32 v0, v7  }
0x7e: {  	v1 =	vadd.f32 v3, v1  }
0x7f: {  	v0 =	vadd.f32 v0, v2  }
0x80: {  	v1 =	vmul.f32 $4.999999890e-03, v1  }
0x81: {  	v0 =	vmul.f32 $4.999999890e-03, v0  }
0x82: {  	[tilespmem:s17+$0x12C40] =	vst v1  }
0x83: {  	s20 =	simm.s32 $0x0;
	[tilespmem:s17+$0x12C50] =	vst v0  }
0x84: {  	v0 =	vld [tilespmem:s20+$0xAF70]  }
0x85: {  	v1 =	vld [tilespmem:s20+$0xAF00]  }
0x86: {  	v2 =	vld [tilespmem:s20+$0xAF10]  }
0x87: {  	v5 =	vld [tilespmem:s20+$0xAF20]  }
0x88: {  	v6 =	vld [tilespmem:s20+$0xAF30]  }
0x89: {  	v10 =	vimm.f32 $0.0e+00;
	v3 =	vimm.f32 $0.0e+00;
	v7 =	vld [tilespmem:s20+$0xAF40]  }
0x8a: {  	v9 =	vimm.f32 $0.0e+00;
	v4 =	vimm.f32 $0.0e+00;
	v11 =	vld [tilespmem:s20+$0xAF50];
	v0 =	vadd.f32 v0, v3  }
0x8b: {  	s19 =	simm.s32 $0x400;
	s18 =	simm.s32 $0x80;
	v8 =	vimm.f32 $0.0e+00;
	v12 =	vld [tilespmem:s20+$0xAF60];
	v1 =	vadd.f32 v1, v3;
	v2 =	vadd.f32 v2, v3  }
.LBB2_9:
0x8c: {  	p0 =	sne.s32 s19, $0x6200;
	v13 =	vld [tilespmem:s18+$0xAF70];
	v3 =	vadd.f32 v5, v3  }
0x8d: {  	v14 =	vld [tilespmem:s18+$0xAF00];
	v4 =	vadd.f32 v6, v4  }
0x8e: {  	v15 =	vld [tilespmem:s18+$0xAF10];
	v10 =	vadd.f32 v7, v10  }
.Ltmp3:
0x8f: {  	v5 =	vld [tilespmem:s18+$0xAF20];
	v8 =	vadd.f32 v11, v8;
	(pc) =	sbr.rel @p0 .LBB2_9-.Ltmp3, $4  }
0x90: {  	v6 =	vld [tilespmem:s18+$0xAF30];
	v9 =	vadd.f32 v12, v9  }
0x91: {  	v7 =	vld [tilespmem:s18+$0xAF40];
	v0 =	vadd.f32 v13, v0  }
0x92: {  	v1 =	vadd.f32 v14, v1;
	v11 =	vld [tilespmem:s18+$0xAF50]  }
0x93: {  	v2 =	vadd.f32 v15, v2;
	v12 =	vld [tilespmem:s18+$0xAF60];
	s18 =	sshra.s32 s19, $0x2;
	s19 =	sadd.s32 $0x200, s19  }
0x94: {  	v13 =	vld [tilespmem:s18+$0xAF70]  }
0x95: {  	v14 =	vld [tilespmem:s18+$0xAF00]  }
0x96: {  	v15 =	vld [tilespmem:s18+$0xAF10]  }
0x97: {  	v16 =	vld [tilespmem:s18+$0xAF20]  }
0x98: {  	v17 =	vld [tilespmem:s18+$0xAF30]  }
0x99: {  	v18 =	vld [tilespmem:s18+$0xAF40]  }
0x9a: {  	v3 =	vadd.f32 v5, v3;
	v5 =	vld [tilespmem:s18+$0xAF60]  }
0x9b: {  	v4 =	vadd.f32 v6, v4;
	v6 =	vadd.f32 v7, v10;
	v7 =	vld [tilespmem:s18+$0xAF50]  }
0x9c: {  	v8 =	vadd.f32 v11, v8;
	v9 =	vadd.f32 v12, v9  }
0x9d: {  	v0 =	vadd.f32 v13, v0;
	v1 =	vadd.f32 v14, v1  }
0x9e: {  	v2 =	vadd.f32 v15, v2;
	v3 =	vadd.f32 v16, v3  }
0x9f: {  	v6 =	vadd.f32 v18, v6;
	v5 =	vadd.f32 v5, v9  }
0xa0: {  	v4 =	vadd.f32 v17, v4;
	v7 =	vadd.f32 v7, v8  }
0xa1: {  	v1 =	vadd.f32 v3, v1;
	v3 =	vadd.f32 v5, v6  }
0xa2: {  	v2 =	vadd.f32 v4, v2;
	v0 =	vadd.f32 v0, v7  }
0xa3: {  	v1 =	vadd.f32 v3, v1  }
0xa4: {  	v0 =	vadd.f32 v0, v2  }
0xa5: {  	v1 =	vmul.f32 $4.999999890e-03, v1  }
0xa6: {  	v0 =	vmul.f32 $4.999999890e-03, v0  }
0xa7: {  	p0 =	seq.s32 s15, $0xF;
	[tilespmem:s17+$0x12C60] =	vst v1  }
0xa8: {  	[tilespmem:s17+$0x12C70] =	vst v0;
	s17 =	smul.u32 @!p0 $0x1900, s15  }
0xa9: {  	s31 =	simm.s32 $0x0;
	_ =	swait.ge [sflag:s12], $0x6400  }
0xaa: {  	s19 =	simm.s32 @!p0 $0x6400;
	[sflag:s12] =	ssyncset.done $0x0;
	s17 =	sshra.s32 @!p0 s17, $0x2  }
0xab: {  	s18 =	simm.s32 @!p0 $0x320;
	[sflag:s12] =	ssyncadd.s32 $0xFFFF9C00;
	s17 =	sadd.s32 @!p0 $0x640, s17  }
0xac: {  	[tilespmem:s19], [sflag:$0x1] =	stream.indirect.gather @!p0 [hbm4b:s3+s18], $0x20, s17, s18, $0xb8;
	[tilespmem:$0x13C00] =	vst v63  }
0xad: {  	v0 =	vld [tilespmem:s31+$0xC870]  }
0xae: {  	v1 =	vld [tilespmem:s31+$0xC800]  }
0xaf: {  	v2 =	vld [tilespmem:s31+$0xC810]  }
0xb0: {  	v5 =	vld [tilespmem:s31+$0xC820]  }
0xb1: {  	v6 =	vld [tilespmem:s31+$0xC830]  }
0xb2: {  	v10 =	vimm.f32 $0.0e+00;
	v3 =	vimm.f32 $0.0e+00;
	v7 =	vld [tilespmem:s31+$0xC840]  }
0xb3: {  	v9 =	vimm.f32 $0.0e+00;
	v4 =	vimm.f32 $0.0e+00;
	v11 =	vld [tilespmem:s31+$0xC850];
	v0 =	vadd.f32 v0, v3  }
0xb4: {  	v8 =	vimm.f32 $0.0e+00;
	s17 =	simm.s32 $0x80;
	s18 =	simm.s32 $0x400;
	v12 =	vld [tilespmem:s31+$0xC860];
	v1 =	vadd.f32 v1, v3;
	v2 =	vadd.f32 v2, v3  }
.LBB2_11:
0xb5: {  	p0 =	sne.s32 s18, $0x6200;
	v13 =	vld [tilespmem:s17+$0xC870];
	v3 =	vadd.f32 v5, v3  }
0xb6: {  	v14 =	vld [tilespmem:s17+$0xC800];
	v4 =	vadd.f32 v6, v4  }
0xb7: {  	v15 =	vld [tilespmem:s17+$0xC810];
	v10 =	vadd.f32 v7, v10  }
.Ltmp4:
0xb8: {  	v5 =	vld [tilespmem:s17+$0xC820];
	v8 =	vadd.f32 v11, v8;
	(pc) =	sbr.rel @p0 .LBB2_11-.Ltmp4, $4  }
0xb9: {  	v6 =	vld [tilespmem:s17+$0xC830];
	v9 =	vadd.f32 v12, v9  }
0xba: {  	v7 =	vld [tilespmem:s17+$0xC840];
	v0 =	vadd.f32 v13, v0  }
0xbb: {  	v1 =	vadd.f32 v14, v1;
	v11 =	vld [tilespmem:s17+$0xC850]  }
0xbc: {  	v2 =	vadd.f32 v15, v2;
	v12 =	vld [tilespmem:s17+$0xC860];
	s17 =	sshra.s32 s18, $0x2;
	s18 =	sadd.s32 $0x200, s18  }
0xbd: {  	v13 =	vld [tilespmem:s17+$0xC870]  }
0xbe: {  	v14 =	vld [tilespmem:s17+$0xC800]  }
0xbf: {  	v15 =	vld [tilespmem:s17+$0xC810]  }
0xc0: {  	v16 =	vld [tilespmem:s17+$0xC820]  }
0xc1: {  	v17 =	vld [tilespmem:s17+$0xC830]  }
0xc2: {  	v18 =	vld [tilespmem:s17+$0xC840]  }
0xc3: {  	v3 =	vadd.f32 v5, v3;
	v5 =	vld [tilespmem:s17+$0xC860]  }
0xc4: {  	v4 =	vadd.f32 v6, v4;
	v6 =	vadd.f32 v7, v10;
	v7 =	vld [tilespmem:s17+$0xC850]  }
0xc5: {  	v8 =	vadd.f32 v11, v8;
	v9 =	vadd.f32 v12, v9  }
0xc6: {  	v0 =	vadd.f32 v13, v0;
	v1 =	vadd.f32 v14, v1  }
0xc7: {  	v2 =	vadd.f32 v15, v2;
	v3 =	vadd.f32 v16, v3  }
0xc8: {  	v6 =	vadd.f32 v18, v6;
	v5 =	vadd.f32 v5, v9  }
0xc9: {  	v4 =	vadd.f32 v17, v4;
	v7 =	vadd.f32 v7, v8  }
0xca: {  	v1 =	vadd.f32 v3, v1;
	v3 =	vadd.f32 v5, v6  }
0xcb: {  	v2 =	vadd.f32 v4, v2;
	v0 =	vadd.f32 v0, v7  }
0xcc: {  	v1 =	vadd.f32 v3, v1  }
0xcd: {  	v0 =	vadd.f32 v0, v2  }
0xce: {  	s16 =	sshll.u32 s16, $0x7;
	v1 =	vmul.f32 $4.999999890e-03, v1  }
0xcf: {  	s16 =	sand.u32 $0x3FFFFF80, s16;
	v0 =	vmul.f32 $4.999999890e-03, v0  }
0xd0: {  	[tilespmem:s16+$0x12C00] =	vst v1  }
0xd1: {  	s19 =	simm.s32 $0x0;
	[tilespmem:s16+$0x12C10] =	vst v0  }
0xd2: {  	v0 =	vld [tilespmem:s19+$0xE170]  }
0xd3: {  	v1 =	vld [tilespmem:s19+$0xE100]  }
0xd4: {  	v2 =	vld [tilespmem:s19+$0xE110]  }
0xd5: {  	v5 =	vld [tilespmem:s19+$0xE120]  }
0xd6: {  	v6 =	vld [tilespmem:s19+$0xE130]  }
0xd7: {  	v10 =	vimm.f32 $0.0e+00;
	v3 =	vimm.f32 $0.0e+00;
	v7 =	vld [tilespmem:s19+$0xE140]  }
0xd8: {  	v9 =	vimm.f32 $0.0e+00;
	v4 =	vimm.f32 $0.0e+00;
	v11 =	vld [tilespmem:s19+$0xE150];
	v0 =	vadd.f32 v0, v3  }
0xd9: {  	s18 =	simm.s32 $0x400;
	s17 =	simm.s32 $0x80;
	v8 =	vimm.f32 $0.0e+00;
	v12 =	vld [tilespmem:s19+$0xE160];
	v1 =	vadd.f32 v1, v3;
	v2 =	vadd.f32 v2, v3  }
.LBB2_13:
0xda: {  	p0 =	sne.s32 s18, $0x6200;
	v13 =	vld [tilespmem:s17+$0xE170];
	v3 =	vadd.f32 v5, v3  }
0xdb: {  	v14 =	vld [tilespmem:s17+$0xE100];
	v4 =	vadd.f32 v6, v4  }
0xdc: {  	v15 =	vld [tilespmem:s17+$0xE110];
	v10 =	vadd.f32 v7, v10  }
.Ltmp5:
0xdd: {  	v5 =	vld [tilespmem:s17+$0xE120];
	v8 =	vadd.f32 v11, v8;
	(pc) =	sbr.rel @p0 .LBB2_13-.Ltmp5, $4  }
0xde: {  	v6 =	vld [tilespmem:s17+$0xE130];
	v9 =	vadd.f32 v12, v9  }
0xdf: {  	v7 =	vld [tilespmem:s17+$0xE140];
	v0 =	vadd.f32 v13, v0  }
0xe0: {  	v1 =	vadd.f32 v14, v1;
	v11 =	vld [tilespmem:s17+$0xE150]  }
0xe1: {  	v2 =	vadd.f32 v15, v2;
	v12 =	vld [tilespmem:s17+$0xE160];
	s17 =	sshra.s32 s18, $0x2;
	s18 =	sadd.s32 $0x200, s18  }
0xe2: {  	v13 =	vld [tilespmem:s17+$0xE170]  }
0xe3: {  	v14 =	vld [tilespmem:s17+$0xE100]  }
0xe4: {  	v15 =	vld [tilespmem:s17+$0xE110]  }
0xe5: {  	v16 =	vld [tilespmem:s17+$0xE120]  }
0xe6: {  	v17 =	vld [tilespmem:s17+$0xE130]  }
0xe7: {  	v18 =	vld [tilespmem:s17+$0xE140]  }
0xe8: {  	v3 =	vadd.f32 v5, v3;
	v5 =	vld [tilespmem:s17+$0xE160]  }
0xe9: {  	v4 =	vadd.f32 v6, v4;
	v6 =	vadd.f32 v7, v10;
	v7 =	vld [tilespmem:s17+$0xE150]  }
0xea: {  	v8 =	vadd.f32 v11, v8;
	v9 =	vadd.f32 v12, v9  }
0xeb: {  	v0 =	vadd.f32 v13, v0;
	v1 =	vadd.f32 v14, v1  }
0xec: {  	v2 =	vadd.f32 v15, v2;
	v3 =	vadd.f32 v16, v3  }
0xed: {  	v6 =	vadd.f32 v18, v6;
	v5 =	vadd.f32 v5, v9  }
0xee: {  	v4 =	vadd.f32 v17, v4;
	v7 =	vadd.f32 v7, v8  }
0xef: {  	v1 =	vadd.f32 v3, v1;
	v3 =	vadd.f32 v5, v6  }
0xf0: {  	v2 =	vadd.f32 v4, v2;
	v0 =	vadd.f32 v0, v7  }
0xf1: {  	v1 =	vadd.f32 v3, v1  }
0xf2: {  	v0 =	vadd.f32 v0, v2  }
0xf3: {  	v1 =	vmul.f32 $4.999999890e-03, v1  }
0xf4: {  	v0 =	vmul.f32 $4.999999890e-03, v0  }
0xf5: {  	[tilespmem:s16+$0x12C20] =	vst v1  }
0xf6: {  	s19 =	simm.s32 $0x0;
	[tilespmem:s16+$0x12C30] =	vst v0  }
0xf7: {  	v0 =	vld [tilespmem:s19+$0xFA70]  }
0xf8: {  	v1 =	vld [tilespmem:s19+$0xFA00]  }
0xf9: {  	v2 =	vld [tilespmem:s19+$0xFA10]  }
0xfa: {  	v5 =	vld [tilespmem:s19+$0xFA20]  }
0xfb: {  	v6 =	vld [tilespmem:s19+$0xFA30]  }
0xfc: {  	v10 =	vimm.f32 $0.0e+00;
	v3 =	vimm.f32 $0.0e+00;
	v7 =	vld [tilespmem:s19+$0xFA40]  }
0xfd: {  	v9 =	vimm.f32 $0.0e+00;
	v4 =	vimm.f32 $0.0e+00;
	v11 =	vld [tilespmem:s19+$0xFA50];
	v0 =	vadd.f32 v0, v3  }
0xfe: {  	s18 =	simm.s32 $0x400;
	s17 =	simm.s32 $0x80;
	v8 =	vimm.f32 $0.0e+00;
	v12 =	vld [tilespmem:s19+$0xFA60];
	v1 =	vadd.f32 v1, v3;
	v2 =	vadd.f32 v2, v3  }
.LBB2_15:
0xff: {  	p0 =	sne.s32 s18, $0x6200;
	v13 =	vld [tilespmem:s17+$0xFA70];
	v3 =	vadd.f32 v5, v3  }
0x100: {  	v14 =	vld [tilespmem:s17+$0xFA00];
	v4 =	vadd.f32 v6, v4  }
0x101: {  	v15 =	vld [tilespmem:s17+$0xFA10];
	v10 =	vadd.f32 v7, v10  }
.Ltmp6:
0x102: {  	v5 =	vld [tilespmem:s17+$0xFA20];
	v8 =	vadd.f32 v11, v8;
	(pc) =	sbr.rel @p0 .LBB2_15-.Ltmp6, $4  }
0x103: {  	v6 =	vld [tilespmem:s17+$0xFA30];
	v9 =	vadd.f32 v12, v9  }
0x104: {  	v7 =	vld [tilespmem:s17+$0xFA40];
	v0 =	vadd.f32 v13, v0  }
0x105: {  	v1 =	vadd.f32 v14, v1;
	v11 =	vld [tilespmem:s17+$0xFA50]  }
0x106: {  	v2 =	vadd.f32 v15, v2;
	v12 =	vld [tilespmem:s17+$0xFA60];
	s17 =	sshra.s32 s18, $0x2;
	s18 =	sadd.s32 $0x200, s18  }
0x107: {  	v13 =	vld [tilespmem:s17+$0xFA70]  }
0x108: {  	v14 =	vld [tilespmem:s17+$0xFA00]  }
0x109: {  	v15 =	vld [tilespmem:s17+$0xFA10]  }
0x10a: {  	v16 =	vld [tilespmem:s17+$0xFA20]  }
0x10b: {  	v17 =	vld [tilespmem:s17+$0xFA30]  }
0x10c: {  	v18 =	vld [tilespmem:s17+$0xFA40]  }
0x10d: {  	v3 =	vadd.f32 v5, v3;
	v5 =	vld [tilespmem:s17+$0xFA60]  }
0x10e: {  	v4 =	vadd.f32 v6, v4;
	v6 =	vadd.f32 v7, v10;
	v7 =	vld [tilespmem:s17+$0xFA50]  }
0x10f: {  	v8 =	vadd.f32 v11, v8;
	v9 =	vadd.f32 v12, v9  }
0x110: {  	v0 =	vadd.f32 v13, v0;
	v1 =	vadd.f32 v14, v1  }
0x111: {  	v2 =	vadd.f32 v15, v2;
	v3 =	vadd.f32 v16, v3  }
0x112: {  	v6 =	vadd.f32 v18, v6;
	v5 =	vadd.f32 v5, v9  }
0x113: {  	v4 =	vadd.f32 v17, v4;
	v7 =	vadd.f32 v7, v8  }
0x114: {  	v1 =	vadd.f32 v3, v1;
	v3 =	vadd.f32 v5, v6  }
0x115: {  	v2 =	vadd.f32 v4, v2;
	v0 =	vadd.f32 v0, v7  }
0x116: {  	v1 =	vadd.f32 v3, v1  }
0x117: {  	v0 =	vadd.f32 v0, v2  }
0x118: {  	v1 =	vmul.f32 $4.999999890e-03, v1  }
0x119: {  	v0 =	vmul.f32 $4.999999890e-03, v0  }
0x11a: {  	[tilespmem:s16+$0x12C40] =	vst v1  }
0x11b: {  	s19 =	simm.s32 $0x0;
	[tilespmem:s16+$0x12C50] =	vst v0  }
0x11c: {  	v0 =	vld [tilespmem:s19+$0x11370]  }
0x11d: {  	v1 =	vld [tilespmem:s19+$0x11300]  }
0x11e: {  	v2 =	vld [tilespmem:s19+$0x11310]  }
0x11f: {  	v5 =	vld [tilespmem:s19+$0x11320]  }
0x120: {  	v6 =	vld [tilespmem:s19+$0x11330]  }
0x121: {  	v10 =	vimm.f32 $0.0e+00;
	v3 =	vimm.f32 $0.0e+00;
	v7 =	vld [tilespmem:s19+$0x11340]  }
0x122: {  	v9 =	vimm.f32 $0.0e+00;
	v4 =	vimm.f32 $0.0e+00;
	v11 =	vld [tilespmem:s19+$0x11350];
	v0 =	vadd.f32 v0, v3  }
0x123: {  	s18 =	simm.s32 $0x400;
	s17 =	simm.s32 $0x80;
	v8 =	vimm.f32 $0.0e+00;
	v12 =	vld [tilespmem:s19+$0x11360];
	v1 =	vadd.f32 v1, v3;
	v2 =	vadd.f32 v2, v3  }
.LBB2_17:
0x124: {  	p0 =	sne.s32 s18, $0x6200;
	v13 =	vld [tilespmem:s17+$0x11370];
	v3 =	vadd.f32 v5, v3  }
0x125: {  	v14 =	vld [tilespmem:s17+$0x11300];
	v4 =	vadd.f32 v6, v4  }
0x126: {  	v15 =	vld [tilespmem:s17+$0x11310];
	v10 =	vadd.f32 v7, v10  }
.Ltmp7:
0x127: {  	v5 =	vld [tilespmem:s17+$0x11320];
	v8 =	vadd.f32 v11, v8;
	(pc) =	sbr.rel @p0 .LBB2_17-.Ltmp7, $4  }
0x128: {  	v6 =	vld [tilespmem:s17+$0x11330];
	v9 =	vadd.f32 v12, v9  }
0x129: {  	v7 =	vld [tilespmem:s17+$0x11340];
	v0 =	vadd.f32 v13, v0  }
0x12a: {  	v1 =	vadd.f32 v14, v1;
	v11 =	vld [tilespmem:s17+$0x11350]  }
0x12b: {  	v2 =	vadd.f32 v15, v2;
	v12 =	vld [tilespmem:s17+$0x11360];
	s17 =	sshra.s32 s18, $0x2;
	s18 =	sadd.s32 $0x200, s18  }
0x12c: {  	v13 =	vld [tilespmem:s17+$0x11370]  }
0x12d: {  	v14 =	vld [tilespmem:s17+$0x11300]  }
0x12e: {  	v15 =	vld [tilespmem:s17+$0x11310]  }
0x12f: {  	v16 =	vld [tilespmem:s17+$0x11320]  }
0x130: {  	v17 =	vld [tilespmem:s17+$0x11330]  }
0x131: {  	v18 =	vld [tilespmem:s17+$0x11340]  }
0x132: {  	v3 =	vadd.f32 v5, v3;
	v62 =	vld [tilespmem:s17+$0x11350]  }
0x133: {  	v60 =	vld [tilespmem:s17+$0x11360];
	v4 =	vadd.f32 v6, v4;
	v61 =	vadd.f32 v7, v10  }
0x134: {  	v8 =	vadd.f32 v11, v8;
	v9 =	vadd.f32 v12, v9  }
0x135: {  	v0 =	vadd.f32 v13, v0;
	v1 =	vadd.f32 v14, v1  }
0x136: {  	v2 =	vadd.f32 v15, v2;
	v3 =	vadd.f32 v16, v3  }
0x137: {  	v4 =	vadd.f32 v17, v4;
	v7 =	vadd.f32 v62, v8  }
0x138: {  	v6 =	vadd.f32 v18, v61;
	v5 =	vadd.f32 v60, v9  }
0x139: {  	v2 =	vadd.f32 v4, v2;
	v0 =	vadd.f32 v0, v7  }
0x13a: {  	s15 =	sadd.s32 $0x1, s15;
	v1 =	vadd.f32 v3, v1;
	v63 =	vadd.f32 v5, v6  }
0x13b: {  	p0 =	sne.s32 s15, $0x10;
	v0 =	vadd.f32 v0, v2  }
.Ltmp8:
0x13c: {  	v1 =	vadd.f32 v63, v1;
	(pc) =	sbr.rel @p0 .LBB2_2-.Ltmp8, $4  }
0x13d: {  	v0 =	vmul.f32 $4.999999890e-03, v0  }
0x13e: {  	v1 =	vmul.f32 $4.999999890e-03, v1  }
0x13f: {  	[tilespmem:s16+$0x12C70] =	vst v0  }
0x140: {  	[tilespmem:s16+$0x12C60] =	vst v1  }
0x141: {  	s14 =	sadd.s32 $0x1, s14  }
0x142: {  	p0 =	sne.s32 s14, s6  }
.Ltmp9:
0x143: {  	_ = 	snop;
	(pc) =	sbr.rel @p0 .LBB2_1-.Ltmp9, $4  }
0x144: {  	[hbm4b:s5+s2] =	stream.linear.scatter [tilespmem:s13], [sflag:$0x3], $0x1000, $0x38;
	[tilespmem:$0x13C00] =	vst v63  }
0x145: {  	_ =	swait.ge [sflag:s7], $0x1000  }
0x146: {  	[sflag:s7] =	ssyncset.done $0x0  }
0x147: {  	[sflag:s7] =	ssyncadd.s32 $0xFFFFF000  }
0x148: {  	_ =	sfence.sel $0x180000  }
0x149: {  	[bflag:$0x0] =	sbarrier.arrive $0xFFFF  }
0x14a: {  	p0 =	sne.s32 s0, $0x0;
	_ =	strace $0x90000047  }
0x14b: {  	s0 =	sadd.s32 @!p0 $0x100000, s1;
	[bflag:$0x2] =	sbarrier.arrive $0xFFFF  }
0x14c: {  	[sflag:s0] =	ssyncadd.tile.s32 @!p0 $0x1;
	_ =	shalt  }
.Lfunc_end2:
_tile_overlayer_lowered:
.L_overlay_start_2:
0x14d: {  	(tag) =	ssettag $0x2  }
0x14e: {  	s0 =	rddreg [dreg:$0x0];
	s2 =	stileid.u32  }
0x14f: {  	s1 =	rddreg [dreg:$0x1];
	p0 =	sne.s32 s2, $0x0  }
0x150: {  	s3 =	rddreg [dreg:$0x2];
	[bflag:$0x3] =	sbarrier.arrive $0xFFFF;
	s2 =	simm.s32 @!p0 $0x1C03  }
0x151: {  	[timem:s3], [sflag:s2] =	dma.local @!p0 [hbm:s0], s1  }
0x152: {  	s0 =	simm.s32 @!p0 $0x3  }
0x153: {  	_ =	swait.ge @!p0 [sflag:s0], s1  }
0x154: {  	s1 =	ssub.s32 @!p0 $0x0, s1;
	[sflag:s0] =	ssyncset.done @!p0 $0x0  }
0x155: {  	[sflag:s0] =	ssyncadd.s32 @!p0 s1  }
0x156: {  	[bflag:$0x3] =	sbarrier.arrive $0xFFFF  }
0x157: {  	_ =	shalt  }

</sc_bundles>
